<compile_context>
chip_gen: v7x
topology: tpu7x:2x2x1
jax: 0.10.2.dev20260603
libtpu: 0.0.44.dev20260713+nightly
codegen_flags: <defaults>
</compile_context>

<pallas_src>
import functools

import jax
import jax.numpy as jnp
from jax import lax
from jax.experimental import pallas as pl
from jax.experimental.pallas import tpu as pltpu
from jax.experimental.pallas import tpu_sc as plsc

_NE = 8192
_D = 256
_B = 16
_T = 1024
_KB = 1024
_BETA = 0.25

_NC = 2
_NS = 16
_NW = _NC * _NS
_TPW = (_B * _T) // _NW
_GC = 128


def _argmin_body(z_ref, e_ref, z2_ref, e2_ref, idx_ref, loss_ref, acc_ref):
    b = pl.program_id(0)
    zb = z_ref[0]
    z2b = z2_ref[0, 0]

    def step(j, carry):
        rmin, ridx = carry
        eb = e_ref[pl.ds(j * _KB, _KB), :]
        e2b = e2_ref[0, pl.ds(j * _KB, _KB)]
        mm = lax.dot_general(eb, zb, (((1,), (0,)), ((), ())),
                             preferred_element_type=jnp.float32)
        d = (z2b[None, :] + e2b[:, None]) - 2.0 * mm
        bmin = jnp.min(d, axis=0)
        rows = lax.broadcasted_iota(jnp.int32, (_KB, _T), 0) + j * _KB
        bidx = jnp.min(jnp.where(d == bmin[None, :], rows, _NE), axis=0)
        upd = bmin < rmin
        return (jnp.where(upd, bmin, rmin), jnp.where(upd, bidx, ridx))

    rmin0 = jnp.full((_T,), jnp.inf, jnp.float32)
    ridx0 = jnp.zeros((_T,), jnp.int32)
    rmin, ridx = lax.fori_loop(0, _NE // _KB, step, (rmin0, ridx0))
    idx_ref[0, 0] = ridx

    @pl.when(b == 0)
    def _():
        acc_ref[0, 0] = 0.0

    acc_ref[0, 0] += jnp.sum(rmin)

    @pl.when(b == _B - 1)
    def _():
        loss_ref[...] = jnp.full(
            (1, 1), acc_ref[0, 0] * ((1.0 + _BETA) / (_B * _T * _D)),
            jnp.float32)


_argmin_call = pl.pallas_call(
    _argmin_body,
    grid=(_B,),
    in_specs=[
        pl.BlockSpec((1, _D, _T), lambda b: (b, 0, 0)),
        pl.BlockSpec((_NE, _D), lambda b: (0, 0)),
        pl.BlockSpec((1, 1, _T), lambda b: (b, 0, 0)),
        pl.BlockSpec((1, _NE), lambda b: (0, 0)),
    ],
    out_specs=[
        pl.BlockSpec((1, 1, _T), lambda b: (b, 0, 0)),
        pl.BlockSpec((1, 1), lambda b: (0, 0)),
    ],
    out_shape=[
        jax.ShapeDtypeStruct((_B, 1, _T), jnp.int32),
        jax.ShapeDtypeStruct((1, 1), jnp.float32),
    ],
    scratch_shapes=[pltpu.SMEM((1, 1), jnp.float32)],
)


def _sc_body(table_hbm, idx_hbm, out_hbm, hist_hbm,
             idxc_v, idxf_v, ones_v, rows_v, stage_v, shared, sem):
    cid = lax.axis_index("c")
    sid = lax.axis_index("s")
    wid = sid * _NC + cid
    base = wid * _TPW
    pltpu.sync_copy(idx_hbm.at[pl.ds(base, _TPW)], idxf_v)

    def zero_step(i, _):
        stage_v[pl.ds(i * 16, 16)] = jnp.zeros((16,), jnp.float32)
        return 0

    lax.fori_loop(0, _NE // 16, zero_step, 0)

    def one_step(i, _):
        ones_v[pl.ds(i * 16, 16)] = jnp.ones((16,), jnp.float32)
        return 0

    lax.fori_loop(0, _TPW // 16, one_step, 0)

    @pl.when(sid == 0)
    def _():
        pltpu.sync_copy(stage_v, shared)

    plsc.subcore_barrier()
    pltpu.sync_copy(ones_v, shared.at[idxf_v], add=True)
    plsc.subcore_barrier()

    @pl.when(sid == 0)
    def _():
        pltpu.sync_copy(shared, stage_v)
        pltpu.sync_copy(stage_v, hist_hbm.at[cid])

    for c in range(_TPW // _GC):
        pltpu.sync_copy(idx_hbm.at[pl.ds(base + c * _GC, _GC)], idxc_v.at[c])
        pltpu.async_copy(table_hbm.at[idxc_v.at[c]], rows_v, sem).wait()
        pltpu.sync_copy(rows_v, out_hbm.at[pl.ds(base + c * _GC, _GC)])


@functools.cache
def _get_sc_call():
    return pl.kernel(
        _sc_body,
        out_type=[
            jax.ShapeDtypeStruct((_B * _T, _D), jnp.float32),
            jax.ShapeDtypeStruct((_NC, _NE), jnp.float32),
        ],
        mesh=plsc.VectorSubcoreMesh(core_axis_name="c", subcore_axis_name="s",
                                    num_cores=_NC, num_subcores=_NS),
        scratch_types=[
            pltpu.VMEM((_TPW // _GC, _GC), jnp.int32),
            pltpu.VMEM((_TPW,), jnp.int32),
            pltpu.VMEM((_TPW,), jnp.float32),
            pltpu.VMEM((_GC, _D), jnp.float32),
            pltpu.VMEM((_NE,), jnp.float32),
            pltpu.VMEM_SHARED((_NE,), jnp.float32),
            pltpu.SemaphoreType.DMA,
        ],
    )


def _fin_body(z_ref, zq_ref, hist_ref, out_ref, perp_ref):
    b = pl.program_id(0)
    zb = z_ref[0]
    zq = zq_ref[0]
    zqt = jnp.transpose(zq, (1, 0))
    out_ref[0] = zb + (zqt - zb)

    @pl.when(b == 0)
    def _():
        counts = jnp.sum(hist_ref[...], axis=0)
        em = counts * (1.0 / (_B * _T))
        perp_ref[...] = jnp.full(
            (1, 1), jnp.exp(-jnp.sum(em * jnp.log(em + 1e-10))), jnp.float32)


_fin_call = pl.pallas_call(
    _fin_body,
    grid=(_B,),
    in_specs=[
        pl.BlockSpec((1, _D, _T), lambda b: (b, 0, 0)),
        pl.BlockSpec((1, _T, _D), lambda b: (b, 0, 0)),
        pl.BlockSpec((_NC, _NE), lambda b: (0, 0)),
    ],
    out_specs=[
        pl.BlockSpec((1, _D, _T), lambda b: (b, 0, 0)),
        pl.BlockSpec((1, 1), lambda b: (0, 0)),
    ],
    out_shape=[
        jax.ShapeDtypeStruct((_B, _D, _T), jnp.float32),
        jax.ShapeDtypeStruct((1, 1), jnp.float32),
    ],
)


def kernel(z, embedding_weight):
    zp = jnp.transpose(z, (0, 2, 3, 1))
    z_flattened = zp.reshape(-1, _D)
    z2 = jnp.sum(z_flattened ** 2, axis=1)
    e2 = jnp.sum(embedding_weight ** 2, axis=1)

    z3 = z.reshape(_B, _D, _T)
    idx3, loss11 = _argmin_call(
        z3, embedding_weight, z2.reshape(_B, 1, _T), e2.reshape(1, _NE))
    idx_flat = idx3.reshape(_B * _T)
    zqg, hist_parts = _get_sc_call()(embedding_weight, idx_flat)
    zq3, perp11 = _fin_call(z3, zqg.reshape(_B, _T, _D), hist_parts)

    return (
        zq3.reshape(_B, _D, 32, 32),
        loss11.reshape(()),
        perp11.reshape(()),
        idx3.reshape(_B, _T),
    )

# --- scband reference (transcript-rebuilt; emitter-appended) ---
"""Pipeline reference for scband-vector-quantizer-with-weak-trick-11166914969841 (READ-ONLY COPY).

The authoritative reference and input builder live on the scoring server;
editing this copy changes nothing except your own understanding.
"""

import jax, jax.numpy as jnp
import numpy as np

N_E = 8192
E_DIM = 256
BETA = 0.25


def setup_inputs(seed: int = 0) -> dict:
    key = jax.random.key(seed)
    k1, k2 = jax.random.split(key)
    z = jax.random.normal(k1, (16, 256, 32, 32), dtype=jnp.float32)
    embedding_weight = jax.random.uniform(
        k2, (N_E, E_DIM), dtype=jnp.float32, minval=-1.0 / N_E, maxval=1.0 / N_E
    )
    return {"z": z, "embedding_weight": embedding_weight}


def reference(z, embedding_weight):
    # permute(0, 2, 3, 1)
    zp = jnp.transpose(z, (0, 2, 3, 1))
    z_flattened = zp.reshape(-1, E_DIM)
    # squared euclidean distances to codebook entries
    d = (
        jnp.sum(z_flattened ** 2, axis=1, keepdims=True)
        + jnp.sum(embedding_weight ** 2, axis=1)
        - 2.0 * jnp.matmul(z_flattened, embedding_weight.T)
    )
    min_encoding_indices = jnp.argmin(d, axis=1)
    min_encodings = jax.nn.one_hot(min_encoding_indices, N_E, dtype=z_flattened.dtype)
    z_q = jnp.matmul(min_encodings, embedding_weight).reshape(zp.shape)
    # commitment + codebook loss
    loss = jnp.mean((jax.lax.stop_gradient(z_q) - zp) ** 2) + BETA * jnp.mean(
        (z_q - jax.lax.stop_gradient(zp)) ** 2
    )
    # straight-through estimator
    z_q = zp + jax.lax.stop_gradient(z_q - zp)
    e_mean = jnp.mean(min_encodings, axis=0)
    perplexity = jnp.exp(-jnp.sum(e_mean * jnp.log(e_mean + 1e-10)))
    indices_out = min_encoding_indices.reshape(zp.shape[0], -1).astype(jnp.int32)
    z_q_out = jnp.transpose(z_q, (0, 3, 1, 2))
    return (z_q_out, loss, perplexity, indices_out)

if __name__ == "__main__":
    import jax
    _d = setup_inputs()
    print(jax.jit(kernel)(*tuple(_d.values())))

</pallas_src>

<mosaic_0001>
#map = affine_map<(d0, d1) -> (0, 0)>
#map1 = affine_map<(d0, d1) -> (0)>
module attributes {stable_mosaic.version = 14 : i64} {
  func.func @_sc_body(%arg0: i32, %arg1: i32, %arg2: memref<8192x256xf32, #tpu.memory_space<hbm>>, %arg3: memref<16384xi32, #tpu.memory_space<hbm>>, %arg4: memref<16384x256xf32, #tpu.memory_space<hbm>>, %arg5: memref<2x8192xf32, #tpu.memory_space<hbm>>, %arg6: memref<4x128xi32, #tpu.memory_space<vmem>>, %arg7: memref<512xi32, #tpu.memory_space<vmem>>, %arg8: memref<512xf32, #tpu.memory_space<vmem>>, %arg9: memref<128x256xf32, #tpu.memory_space<vmem>>, %arg10: memref<8192xf32, #tpu.memory_space<vmem>>, %arg11: memref<8192xf32, #tpu.memory_space<vmem_shared>>, %arg12: memref<!tpu.dma_semaphore, #tpu.memory_space<semaphore_mem>>) attributes {dimension_semantics = [#tpu.dimension_semantics<core_parallel>, #tpu.dimension_semantics<subcore_parallel>], iteration_bounds = array<i64: 2, 16>, scalar_prefetch = 0 : i64, scratch_operands = 7 : i64, tpu.core_type = #tpu.core_type<sc_vector_subcore>, window_params = [{transform_indices = #map}, {transform_indices = #map1}, {transform_indices = #map}, {transform_indices = #map}]} {
    %mul3A = arith.constant 2 : i32
    %mul3A_0 = arith.muli %arg1, %mul3A : i32
    %add3A = arith.addi %mul3A_0, %arg0 : i32
    %mul3A_1 = arith.constant 512 : i32
    %mul3A_2 = arith.muli %add3A, %mul3A_1 : i32
    "tpu.region"() ({
      %run_scoped3A_97 = tpu.sem_alloc : memref<!tpu.dma_semaphore, #tpu.memory_space<semaphore_mem>>
      %dma_start3A_98 = tpu.memref_slice %arg3[%mul3A_2] : memref<16384xi32, #tpu.memory_space<hbm>> -> memref<512xi32, #tpu.memory_space<hbm>>
      %dma_start3A_99 = tpu.memref_slice %arg3[%mul3A_2] : memref<16384xi32, #tpu.memory_space<hbm>> -> memref<512xi32, #tpu.memory_space<hbm>>
      tpu.enqueue_dma source(%dma_start3A_99 : memref<512xi32, #tpu.memory_space<hbm>>) target(%arg7 : memref<512xi32, #tpu.memory_space<vmem>>) target_semaphore(%run_scoped3A_97 : memref<!tpu.dma_semaphore, #tpu.memory_space<semaphore_mem>>)
      %dma_wait3A_100 = tpu.memref_slice %arg3[%mul3A_2] : memref<16384xi32, #tpu.memory_space<hbm>> -> memref<512xi32, #tpu.memory_space<hbm>>
      %dma_wait3A_101 = tpu.memref_slice %arg3[%mul3A_2] : memref<16384xi32, #tpu.memory_space<hbm>> -> memref<512xi32, #tpu.memory_space<hbm>>
      tpu.wait_dma2 semaphore(%run_scoped3A_97 : memref<!tpu.dma_semaphore, #tpu.memory_space<semaphore_mem>>) src(%dma_wait3A_101 : memref<512xi32, #tpu.memory_space<hbm>>) dst(%arg7 : memref<512xi32, #tpu.memory_space<vmem>>)
      tpu.yield
    }) : () -> ()
    %scan3A = arith.constant 0 : i32
    %scan3A_3 = arith.constant 0 : i32
    %scan3A_4 = arith.constant 512 : i32
    %scan3A_5 = arith.addi %scan3A_3, %scan3A_4 : i32
    %scan3A_6 = arith.constant 1 : i32
    %scan3A_7 = scf.for %scan3A_97 = %scan3A_3 to %scan3A_5 step %scan3A_6 iter_args(%scan3A_98 = %scan3A) -> (i32)  : i32 {
      %broadcast_in_dim3A = arith.constant 0.000000e+00 : f32
      %broadcast_in_dim3A_99 = vector.broadcast %broadcast_in_dim3A : f32 to vector<16xf32>
      %mul3A_100 = arith.constant 16 : i32
      %mul3A_101 = arith.muli %scan3A_97, %mul3A_100 : i32
      %swap3A = arith.index_cast %mul3A_101 : i32 to index
      %swap3A_102 = tpu.vector_load %arg10[%swap3A] {strides = array<i32>} : memref<8192xf32, #tpu.memory_space<vmem>>, vector<16xf32>,
      %swap3A_103 = vector.shape_cast %swap3A_102 : vector<16xf32> to vector<16xf32>
      %swap3A_104 = vector.shape_cast %broadcast_in_dim3A_99 : vector<16xf32> to vector<16xf32>
      tpu.vector_store %arg10[%swap3A], %swap3A_104 {strides = array<i32>} : memref<8192xf32, #tpu.memory_space<vmem>>, vector<16xf32>,
      %scan3A_105 = arith.constant 0 : i32
      scf.yield %scan3A_105 : i32
    }
    %scan3A_8 = arith.constant 512 : i32
    %scan3A_9 = arith.constant 0 : i32
    %scan3A_10 = arith.constant 0 : i32
    %scan3A_11 = arith.constant 32 : i32
    %scan3A_12 = arith.addi %scan3A_10, %scan3A_11 : i32
    %scan3A_13 = arith.constant 1 : i32
    %scan3A_14 = scf.for %scan3A_97 = %scan3A_10 to %scan3A_12 step %scan3A_13 iter_args(%scan3A_98 = %scan3A_9) -> (i32)  : i32 {
      %broadcast_in_dim3A = arith.constant 1.000000e+00 : f32
      %broadcast_in_dim3A_99 = vector.broadcast %broadcast_in_dim3A : f32 to vector<16xf32>
      %mul3A_100 = arith.constant 16 : i32
      %mul3A_101 = arith.muli %scan3A_97, %mul3A_100 : i32
      %swap3A = arith.index_cast %mul3A_101 : i32 to index
      %swap3A_102 = tpu.vector_load %arg8[%swap3A] {strides = array<i32>} : memref<512xf32, #tpu.memory_space<vmem>>, vector<16xf32>,
      %swap3A_103 = vector.shape_cast %swap3A_102 : vector<16xf32> to vector<16xf32>
      %swap3A_104 = vector.shape_cast %broadcast_in_dim3A_99 : vector<16xf32> to vector<16xf32>
      tpu.vector_store %arg8[%swap3A], %swap3A_104 {strides = array<i32>} : memref<512xf32, #tpu.memory_space<vmem>>, vector<16xf32>,
      %scan3A_105 = arith.constant 0 : i32
      scf.yield %scan3A_105 : i32
    }
    %scan3A_15 = arith.constant 32 : i32
    %eq3A = arith.constant 0 : i32
    %eq3A_16 = arith.cmpi eq, %arg1, %eq3A : i32
    %convert_element_type3A = arith.extui %eq3A_16 : i1 to i32
    %cond3A = arith.constant 0 : i32
    %cond3A_17 = arith.cmpi ne, %convert_element_type3A, %cond3A : i32
    scf.if %cond3A_17 {
      "tpu.region"() ({
        %run_scoped3A_97 = tpu.sem_alloc : memref<!tpu.dma_semaphore, #tpu.memory_space<semaphore_mem>>
        tpu.enqueue_dma source(%arg10 : memref<8192xf32, #tpu.memory_space<vmem>>) target(%arg11 : memref<8192xf32, #tpu.memory_space<vmem_shared>>) target_semaphore(%run_scoped3A_97 : memref<!tpu.dma_semaphore, #tpu.memory_space<semaphore_mem>>)
        tpu.wait_dma2 semaphore(%run_scoped3A_97 : memref<!tpu.dma_semaphore, #tpu.memory_space<semaphore_mem>>) src(%arg10 : memref<8192xf32, #tpu.memory_space<vmem>>) dst(%arg11 : memref<8192xf32, #tpu.memory_space<vmem_shared>>)
        tpu.yield
      }) : () -> ()
    } else {
    }
    %barrier3A = arith.constant 0 : index
    tpu.barrier barrier_id(%barrier3A)
    "tpu.region"() ({
      %run_scoped3A_97 = tpu.sem_alloc : memref<!tpu.dma_semaphore, #tpu.memory_space<semaphore_mem>>
      %dma_start3A_98 = arith.constant 0 : i32
      %dma_start3A_99 = tpu.memref_slice %arg11[%dma_start3A_98] : memref<8192xf32, #tpu.memory_space<vmem_shared>> -> memref<8192xf32, #tpu.memory_space<vmem_shared>>
      tpu.enqueue_indirect_dma source(%arg8 : memref<512xf32, #tpu.memory_space<vmem>>) target(%dma_start3A_99 : memref<8192xf32, #tpu.memory_space<vmem_shared>>) offsets(%arg7 : memref<512xi32, #tpu.memory_space<vmem>>) semaphore(%run_scoped3A_97 : memref<!tpu.dma_semaphore, #tpu.memory_space<semaphore_mem>>) {add = true}
      %dma_wait3A_100 = arith.constant 0 : i32
      %dma_wait3A_101 = tpu.memref_slice %arg11[%dma_wait3A_100] : memref<8192xf32, #tpu.memory_space<vmem_shared>> -> memref<8192xf32, #tpu.memory_space<vmem_shared>>
      tpu.wait_indirect_dma semaphore(%run_scoped3A_97 : memref<!tpu.dma_semaphore, #tpu.memory_space<semaphore_mem>>) src(%arg8 : memref<512xf32, #tpu.memory_space<vmem>>) dst(%dma_wait3A_101 : memref<8192xf32, #tpu.memory_space<vmem_shared>>)
      tpu.yield
    }) : () -> ()
    %barrier3A_18 = arith.constant 0 : index
    tpu.barrier barrier_id(%barrier3A_18)
    %eq3A_19 = arith.constant 0 : i32
    %eq3A_20 = arith.cmpi eq, %arg1, %eq3A_19 : i32
    %convert_element_type3A_21 = arith.extui %eq3A_20 : i1 to i32
    %cond3A_22 = arith.constant 0 : i32
    %cond3A_23 = arith.cmpi ne, %convert_element_type3A_21, %cond3A_22 : i32
    scf.if %cond3A_23 {
      "tpu.region"() ({
        %run_scoped3A_97 = tpu.sem_alloc : memref<!tpu.dma_semaphore, #tpu.memory_space<semaphore_mem>>
        tpu.enqueue_dma source(%arg11 : memref<8192xf32, #tpu.memory_space<vmem_shared>>) target(%arg10 : memref<8192xf32, #tpu.memory_space<vmem>>) target_semaphore(%run_scoped3A_97 : memref<!tpu.dma_semaphore, #tpu.memory_space<semaphore_mem>>)
        tpu.wait_dma2 semaphore(%run_scoped3A_97 : memref<!tpu.dma_semaphore, #tpu.memory_space<semaphore_mem>>) src(%arg11 : memref<8192xf32, #tpu.memory_space<vmem_shared>>) dst(%arg10 : memref<8192xf32, #tpu.memory_space<vmem>>)
        tpu.yield
      }) : () -> ()
      "tpu.region"() ({
        %run_scoped3A_97 = tpu.sem_alloc : memref<!tpu.dma_semaphore, #tpu.memory_space<semaphore_mem>>
        %dma_start3A_98 = arith.constant 0 : i32
        %dma_start3A_99 = tpu.memref_slice %arg5[%arg0, %dma_start3A_98] : memref<2x8192xf32, #tpu.memory_space<hbm>> -> memref<1x8192xf32, #tpu.memory_space<hbm>>
        %dma_start3A_100 = tpu.memref_squeeze %dma_start3A_99 : memref<1x8192xf32, #tpu.memory_space<hbm>> -> memref<8192xf32, #tpu.memory_space<hbm>>
        %dma_start3A_101 = arith.constant 0 : i32
        %dma_start3A_102 = tpu.memref_slice %arg5[%arg0, %dma_start3A_101] : memref<2x8192xf32, #tpu.memory_space<hbm>> -> memref<1x8192xf32, #tpu.memory_space<hbm>>
        %dma_start3A_103 = tpu.memref_squeeze %dma_start3A_102 : memref<1x8192xf32, #tpu.memory_space<hbm>> -> memref<8192xf32, #tpu.memory_space<hbm>>
        tpu.enqueue_dma source(%arg10 : memref<8192xf32, #tpu.memory_space<vmem>>) target(%dma_start3A_103 : memref<8192xf32, #tpu.memory_space<hbm>>) target_semaphore(%run_scoped3A_97 : memref<!tpu.dma_semaphore, #tpu.memory_space<semaphore_mem>>)
        %dma_wait3A_104 = arith.constant 0 : i32
        %dma_wait3A_105 = tpu.memref_slice %arg5[%arg0, %dma_wait3A_104] : memref<2x8192xf32, #tpu.memory_space<hbm>> -> memref<1x8192xf32, #tpu.memory_space<hbm>>
        %dma_wait3A_106 = tpu.memref_squeeze %dma_wait3A_105 : memref<1x8192xf32, #tpu.memory_space<hbm>> -> memref<8192xf32, #tpu.memory_space<hbm>>
        %dma_wait3A_107 = arith.constant 0 : i32
        %dma_wait3A_108 = tpu.memref_slice %arg5[%arg0, %dma_wait3A_107] : memref<2x8192xf32, #tpu.memory_space<hbm>> -> memref<1x8192xf32, #tpu.memory_space<hbm>>
        %dma_wait3A_109 = tpu.memref_squeeze %dma_wait3A_108 : memref<1x8192xf32, #tpu.memory_space<hbm>> -> memref<8192xf32, #tpu.memory_space<hbm>>
        tpu.wait_dma2 semaphore(%run_scoped3A_97 : memref<!tpu.dma_semaphore, #tpu.memory_space<semaphore_mem>>) src(%arg10 : memref<8192xf32, #tpu.memory_space<vmem>>) dst(%dma_wait3A_109 : memref<8192xf32, #tpu.memory_space<hbm>>)
        tpu.yield
      }) : () -> ()
    } else {
    }
    %add3A_24 = arith.constant 0 : i32
    %add3A_25 = arith.addi %mul3A_2, %add3A_24 : i32
    %run_scoped3A = arith.constant 0 : i32
    "tpu.region"() ({
      %run_scoped3A_97 = tpu.sem_alloc : memref<!tpu.dma_semaphore, #tpu.memory_space<semaphore_mem>>
      %dma_start3A_98 = arith.constant 0 : i32
      %dma_start3A_99 = tpu.memref_slice %arg6[%run_scoped3A, %dma_start3A_98] : memref<4x128xi32, #tpu.memory_space<vmem>> -> memref<1x128xi32, #tpu.memory_space<vmem>>
      %dma_start3A_100 = tpu.memref_squeeze %dma_start3A_99 : memref<1x128xi32, #tpu.memory_space<vmem>> -> memref<128xi32, #tpu.memory_space<vmem>>
      %dma_start3A_101 = tpu.memref_slice %arg3[%add3A_25] : memref<16384xi32, #tpu.memory_space<hbm>> -> memref<128xi32, #tpu.memory_space<hbm>>
      %dma_start3A_102 = arith.constant 0 : i32
      %dma_start3A_103 = tpu.memref_slice %arg6[%run_scoped3A, %dma_start3A_102] : memref<4x128xi32, #tpu.memory_space<vmem>> -> memref<1x128xi32, #tpu.memory_space<vmem>>
      %dma_start3A_104 = tpu.memref_squeeze %dma_start3A_103 : memref<1x128xi32, #tpu.memory_space<vmem>> -> memref<128xi32, #tpu.memory_space<vmem>>
      %dma_start3A_105 = tpu.memref_slice %arg3[%add3A_25] : memref<16384xi32, #tpu.memory_space<hbm>> -> memref<128xi32, #tpu.memory_space<hbm>>
      tpu.enqueue_dma source(%dma_start3A_105 : memref<128xi32, #tpu.memory_space<hbm>>) target(%dma_start3A_104 : memref<128xi32, #tpu.memory_space<vmem>>) target_semaphore(%run_scoped3A_97 : memref<!tpu.dma_semaphore, #tpu.memory_space<semaphore_mem>>)
      %dma_wait3A_106 = arith.constant 0 : i32
      %dma_wait3A_107 = tpu.memref_slice %arg6[%run_scoped3A, %dma_wait3A_106] : memref<4x128xi32, #tpu.memory_space<vmem>> -> memref<1x128xi32, #tpu.memory_space<vmem>>
      %dma_wait3A_108 = tpu.memref_squeeze %dma_wait3A_107 : memref<1x128xi32, #tpu.memory_space<vmem>> -> memref<128xi32, #tpu.memory_space<vmem>>
      %dma_wait3A_109 = tpu.memref_slice %arg3[%add3A_25] : memref<16384xi32, #tpu.memory_space<hbm>> -> memref<128xi32, #tpu.memory_space<hbm>>
      %dma_wait3A_110 = arith.constant 0 : i32
      %dma_wait3A_111 = tpu.memref_slice %arg6[%run_scoped3A, %dma_wait3A_110] : memref<4x128xi32, #tpu.memory_space<vmem>> -> memref<1x128xi32, #tpu.memory_space<vmem>>
      %dma_wait3A_112 = tpu.memref_squeeze %dma_wait3A_111 : memref<1x128xi32, #tpu.memory_space<vmem>> -> memref<128xi32, #tpu.memory_space<vmem>>
      %dma_wait3A_113 = tpu.memref_slice %arg3[%add3A_25] : memref<16384xi32, #tpu.memory_space<hbm>> -> memref<128xi32, #tpu.memory_space<hbm>>
      tpu.wait_dma2 semaphore(%run_scoped3A_97 : memref<!tpu.dma_semaphore, #tpu.memory_space<semaphore_mem>>) src(%dma_wait3A_113 : memref<128xi32, #tpu.memory_space<hbm>>) dst(%dma_wait3A_112 : memref<128xi32, #tpu.memory_space<vmem>>)
      tpu.yield
    }) : () -> ()
    %dma_start3A = arith.constant 0 : i32
    %dma_start3A_26 = arith.constant 0 : i32
    %dma_start3A_27 = tpu.memref_slice %arg6[%dma_start3A, %dma_start3A_26] : memref<4x128xi32, #tpu.memory_space<vmem>> -> memref<1x128xi32, #tpu.memory_space<vmem>>
    %dma_start3A_28 = tpu.memref_squeeze %dma_start3A_27 : memref<1x128xi32, #tpu.memory_space<vmem>> -> memref<128xi32, #tpu.memory_space<vmem>>
    %dma_start3A_29 = arith.constant 0 : i32
    %dma_start3A_30 = arith.constant 0 : i32
    %dma_start3A_31 = tpu.memref_slice %arg2[%dma_start3A_29, %dma_start3A_30] : memref<8192x256xf32, #tpu.memory_space<hbm>> -> memref<8192x256xf32, #tpu.memory_space<hbm>>
    tpu.enqueue_indirect_dma source(%dma_start3A_31 : memref<8192x256xf32, #tpu.memory_space<hbm>>) target(%arg9 : memref<128x256xf32, #tpu.memory_space<vmem>>) offsets(%dma_start3A_28 : memref<128xi32, #tpu.memory_space<vmem>>) semaphore(%arg12 : memref<!tpu.dma_semaphore, #tpu.memory_space<semaphore_mem>>)
    %dma_wait3A = arith.constant 0 : i32
    %dma_wait3A_32 = arith.constant 0 : i32
    %dma_wait3A_33 = tpu.memref_slice %arg6[%dma_wait3A, %dma_wait3A_32] : memref<4x128xi32, #tpu.memory_space<vmem>> -> memref<1x128xi32, #tpu.memory_space<vmem>>
    %dma_wait3A_34 = tpu.memref_squeeze %dma_wait3A_33 : memref<1x128xi32, #tpu.memory_space<vmem>> -> memref<128xi32, #tpu.memory_space<vmem>>
    %dma_wait3A_35 = arith.constant 0 : i32
    %dma_wait3A_36 = arith.constant 0 : i32
    %dma_wait3A_37 = tpu.memref_slice %arg2[%dma_wait3A_35, %dma_wait3A_36] : memref<8192x256xf32, #tpu.memory_space<hbm>> -> memref<8192x256xf32, #tpu.memory_space<hbm>>
    tpu.wait_indirect_dma semaphore(%arg12 : memref<!tpu.dma_semaphore, #tpu.memory_space<semaphore_mem>>) src(%dma_wait3A_37 : memref<8192x256xf32, #tpu.memory_space<hbm>>) dst(%arg9 : memref<128x256xf32, #tpu.memory_space<vmem>>)
    %add3A_38 = arith.constant 0 : i32
    %add3A_39 = arith.addi %mul3A_2, %add3A_38 : i32
    "tpu.region"() ({
      %run_scoped3A_97 = tpu.sem_alloc : memref<!tpu.dma_semaphore, #tpu.memory_space<semaphore_mem>>
      %dma_start3A_98 = arith.constant 0 : i32
      %dma_start3A_99 = tpu.memref_slice %arg4[%add3A_39, %dma_start3A_98] : memref<16384x256xf32, #tpu.memory_space<hbm>> -> memref<128x256xf32, #tpu.memory_space<hbm>>
      %dma_start3A_100 = arith.constant 0 : i32
      %dma_start3A_101 = tpu.memref_slice %arg4[%add3A_39, %dma_start3A_100] : memref<16384x256xf32, #tpu.memory_space<hbm>> -> memref<128x256xf32, #tpu.memory_space<hbm>>
      tpu.enqueue_dma source(%arg9 : memref<128x256xf32, #tpu.memory_space<vmem>>) target(%dma_start3A_101 : memref<128x256xf32, #tpu.memory_space<hbm>>) target_semaphore(%run_scoped3A_97 : memref<!tpu.dma_semaphore, #tpu.memory_space<semaphore_mem>>)
      %dma_wait3A_102 = arith.constant 0 : i32
      %dma_wait3A_103 = tpu.memref_slice %arg4[%add3A_39, %dma_wait3A_102] : memref<16384x256xf32, #tpu.memory_space<hbm>> -> memref<128x256xf32, #tpu.memory_space<hbm>>
      %dma_wait3A_104 = arith.constant 0 : i32
      %dma_wait3A_105 = tpu.memref_slice %arg4[%add3A_39, %dma_wait3A_104] : memref<16384x256xf32, #tpu.memory_space<hbm>> -> memref<128x256xf32, #tpu.memory_space<hbm>>
      tpu.wait_dma2 semaphore(%run_scoped3A_97 : memref<!tpu.dma_semaphore, #tpu.memory_space<semaphore_mem>>) src(%arg9 : memref<128x256xf32, #tpu.memory_space<vmem>>) dst(%dma_wait3A_105 : memref<128x256xf32, #tpu.memory_space<hbm>>)
      tpu.yield
    }) : () -> ()
    %add3A_40 = arith.constant 128 : i32
    %add3A_41 = arith.addi %mul3A_2, %add3A_40 : i32
    %run_scoped3A_42 = arith.constant 1 : i32
    "tpu.region"() ({
      %run_scoped3A_97 = tpu.sem_alloc : memref<!tpu.dma_semaphore, #tpu.memory_space<semaphore_mem>>
      %dma_start3A_98 = arith.constant 0 : i32
      %dma_start3A_99 = tpu.memref_slice %arg6[%run_scoped3A_42, %dma_start3A_98] : memref<4x128xi32, #tpu.memory_space<vmem>> -> memref<1x128xi32, #tpu.memory_space<vmem>>
      %dma_start3A_100 = tpu.memref_squeeze %dma_start3A_99 : memref<1x128xi32, #tpu.memory_space<vmem>> -> memref<128xi32, #tpu.memory_space<vmem>>
      %dma_start3A_101 = tpu.memref_slice %arg3[%add3A_41] : memref<16384xi32, #tpu.memory_space<hbm>> -> memref<128xi32, #tpu.memory_space<hbm>>
      %dma_start3A_102 = arith.constant 0 : i32
      %dma_start3A_103 = tpu.memref_slice %arg6[%run_scoped3A_42, %dma_start3A_102] : memref<4x128xi32, #tpu.memory_space<vmem>> -> memref<1x128xi32, #tpu.memory_space<vmem>>
      %dma_start3A_104 = tpu.memref_squeeze %dma_start3A_103 : memref<1x128xi32, #tpu.memory_space<vmem>> -> memref<128xi32, #tpu.memory_space<vmem>>
      %dma_start3A_105 = tpu.memref_slice %arg3[%add3A_41] : memref<16384xi32, #tpu.memory_space<hbm>> -> memref<128xi32, #tpu.memory_space<hbm>>
      tpu.enqueue_dma source(%dma_start3A_105 : memref<128xi32, #tpu.memory_space<hbm>>) target(%dma_start3A_104 : memref<128xi32, #tpu.memory_space<vmem>>) target_semaphore(%run_scoped3A_97 : memref<!tpu.dma_semaphore, #tpu.memory_space<semaphore_mem>>)
      %dma_wait3A_106 = arith.constant 0 : i32
      %dma_wait3A_107 = tpu.memref_slice %arg6[%run_scoped3A_42, %dma_wait3A_106] : memref<4x128xi32, #tpu.memory_space<vmem>> -> memref<1x128xi32, #tpu.memory_space<vmem>>
      %dma_wait3A_108 = tpu.memref_squeeze %dma_wait3A_107 : memref<1x128xi32, #tpu.memory_space<vmem>> -> memref<128xi32, #tpu.memory_space<vmem>>
      %dma_wait3A_109 = tpu.memref_slice %arg3[%add3A_41] : memref<16384xi32, #tpu.memory_space<hbm>> -> memref<128xi32, #tpu.memory_space<hbm>>
      %dma_wait3A_110 = arith.constant 0 : i32
      %dma_wait3A_111 = tpu.memref_slice %arg6[%run_scoped3A_42, %dma_wait3A_110] : memref<4x128xi32, #tpu.memory_space<vmem>> -> memref<1x128xi32, #tpu.memory_space<vmem>>
      %dma_wait3A_112 = tpu.memref_squeeze %dma_wait3A_111 : memref<1x128xi32, #tpu.memory_space<vmem>> -> memref<128xi32, #tpu.memory_space<vmem>>
      %dma_wait3A_113 = tpu.memref_slice %arg3[%add3A_41] : memref<16384xi32, #tpu.memory_space<hbm>> -> memref<128xi32, #tpu.memory_space<hbm>>
      tpu.wait_dma2 semaphore(%run_scoped3A_97 : memref<!tpu.dma_semaphore, #tpu.memory_space<semaphore_mem>>) src(%dma_wait3A_113 : memref<128xi32, #tpu.memory_space<hbm>>) dst(%dma_wait3A_112 : memref<128xi32, #tpu.memory_space<vmem>>)
      tpu.yield
    }) : () -> ()
    %dma_start3A_43 = arith.constant 1 : i32
    %dma_start3A_44 = arith.constant 0 : i32
    %dma_start3A_45 = tpu.memref_slice %arg6[%dma_start3A_43, %dma_start3A_44] : memref<4x128xi32, #tpu.memory_space<vmem>> -> memref<1x128xi32, #tpu.memory_space<vmem>>
    %dma_start3A_46 = tpu.memref_squeeze %dma_start3A_45 : memref<1x128xi32, #tpu.memory_space<vmem>> -> memref<128xi32, #tpu.memory_space<vmem>>
    %dma_start3A_47 = arith.constant 0 : i32
    %dma_start3A_48 = arith.constant 0 : i32
    %dma_start3A_49 = tpu.memref_slice %arg2[%dma_start3A_47, %dma_start3A_48] : memref<8192x256xf32, #tpu.memory_space<hbm>> -> memref<8192x256xf32, #tpu.memory_space<hbm>>
    tpu.enqueue_indirect_dma source(%dma_start3A_49 : memref<8192x256xf32, #tpu.memory_space<hbm>>) target(%arg9 : memref<128x256xf32, #tpu.memory_space<vmem>>) offsets(%dma_start3A_46 : memref<128xi32, #tpu.memory_space<vmem>>) semaphore(%arg12 : memref<!tpu.dma_semaphore, #tpu.memory_space<semaphore_mem>>)
    %dma_wait3A_50 = arith.constant 1 : i32
    %dma_wait3A_51 = arith.constant 0 : i32
    %dma_wait3A_52 = tpu.memref_slice %arg6[%dma_wait3A_50, %dma_wait3A_51] : memref<4x128xi32, #tpu.memory_space<vmem>> -> memref<1x128xi32, #tpu.memory_space<vmem>>
    %dma_wait3A_53 = tpu.memref_squeeze %dma_wait3A_52 : memref<1x128xi32, #tpu.memory_space<vmem>> -> memref<128xi32, #tpu.memory_space<vmem>>
    %dma_wait3A_54 = arith.constant 0 : i32
    %dma_wait3A_55 = arith.constant 0 : i32
    %dma_wait3A_56 = tpu.memref_slice %arg2[%dma_wait3A_54, %dma_wait3A_55] : memref<8192x256xf32, #tpu.memory_space<hbm>> -> memref<8192x256xf32, #tpu.memory_space<hbm>>
    tpu.wait_indirect_dma semaphore(%arg12 : memref<!tpu.dma_semaphore, #tpu.memory_space<semaphore_mem>>) src(%dma_wait3A_56 : memref<8192x256xf32, #tpu.memory_space<hbm>>) dst(%arg9 : memref<128x256xf32, #tpu.memory_space<vmem>>)
    %add3A_57 = arith.constant 128 : i32
    %add3A_58 = arith.addi %mul3A_2, %add3A_57 : i32
    "tpu.region"() ({
      %run_scoped3A_97 = tpu.sem_alloc : memref<!tpu.dma_semaphore, #tpu.memory_space<semaphore_mem>>
      %dma_start3A_98 = arith.constant 0 : i32
      %dma_start3A_99 = tpu.memref_slice %arg4[%add3A_58, %dma_start3A_98] : memref<16384x256xf32, #tpu.memory_space<hbm>> -> memref<128x256xf32, #tpu.memory_space<hbm>>
      %dma_start3A_100 = arith.constant 0 : i32
      %dma_start3A_101 = tpu.memref_slice %arg4[%add3A_58, %dma_start3A_100] : memref<16384x256xf32, #tpu.memory_space<hbm>> -> memref<128x256xf32, #tpu.memory_space<hbm>>
      tpu.enqueue_dma source(%arg9 : memref<128x256xf32, #tpu.memory_space<vmem>>) target(%dma_start3A_101 : memref<128x256xf32, #tpu.memory_space<hbm>>) target_semaphore(%run_scoped3A_97 : memref<!tpu.dma_semaphore, #tpu.memory_space<semaphore_mem>>)
      %dma_wait3A_102 = arith.constant 0 : i32
      %dma_wait3A_103 = tpu.memref_slice %arg4[%add3A_58, %dma_wait3A_102] : memref<16384x256xf32, #tpu.memory_space<hbm>> -> memref<128x256xf32, #tpu.memory_space<hbm>>
      %dma_wait3A_104 = arith.constant 0 : i32
      %dma_wait3A_105 = tpu.memref_slice %arg4[%add3A_58, %dma_wait3A_104] : memref<16384x256xf32, #tpu.memory_space<hbm>> -> memref<128x256xf32, #tpu.memory_space<hbm>>
      tpu.wait_dma2 semaphore(%run_scoped3A_97 : memref<!tpu.dma_semaphore, #tpu.memory_space<semaphore_mem>>) src(%arg9 : memref<128x256xf32, #tpu.memory_space<vmem>>) dst(%dma_wait3A_105 : memref<128x256xf32, #tpu.memory_space<hbm>>)
      tpu.yield
    }) : () -> ()
    %add3A_59 = arith.constant 256 : i32
    %add3A_60 = arith.addi %mul3A_2, %add3A_59 : i32
    %run_scoped3A_61 = arith.constant 2 : i32
    "tpu.region"() ({
      %run_scoped3A_97 = tpu.sem_alloc : memref<!tpu.dma_semaphore, #tpu.memory_space<semaphore_mem>>
      %dma_start3A_98 = arith.constant 0 : i32
      %dma_start3A_99 = tpu.memref_slice %arg6[%run_scoped3A_61, %dma_start3A_98] : memref<4x128xi32, #tpu.memory_space<vmem>> -> memref<1x128xi32, #tpu.memory_space<vmem>>
      %dma_start3A_100 = tpu.memref_squeeze %dma_start3A_99 : memref<1x128xi32, #tpu.memory_space<vmem>> -> memref<128xi32, #tpu.memory_space<vmem>>
      %dma_start3A_101 = tpu.memref_slice %arg3[%add3A_60] : memref<16384xi32, #tpu.memory_space<hbm>> -> memref<128xi32, #tpu.memory_space<hbm>>
      %dma_start3A_102 = arith.constant 0 : i32
      %dma_start3A_103 = tpu.memref_slice %arg6[%run_scoped3A_61, %dma_start3A_102] : memref<4x128xi32, #tpu.memory_space<vmem>> -> memref<1x128xi32, #tpu.memory_space<vmem>>
      %dma_start3A_104 = tpu.memref_squeeze %dma_start3A_103 : memref<1x128xi32, #tpu.memory_space<vmem>> -> memref<128xi32, #tpu.memory_space<vmem>>
      %dma_start3A_105 = tpu.memref_slice %arg3[%add3A_60] : memref<16384xi32, #tpu.memory_space<hbm>> -> memref<128xi32, #tpu.memory_space<hbm>>
      tpu.enqueue_dma source(%dma_start3A_105 : memref<128xi32, #tpu.memory_space<hbm>>) target(%dma_start3A_104 : memref<128xi32, #tpu.memory_space<vmem>>) target_semaphore(%run_scoped3A_97 : memref<!tpu.dma_semaphore, #tpu.memory_space<semaphore_mem>>)
      %dma_wait3A_106 = arith.constant 0 : i32
      %dma_wait3A_107 = tpu.memref_slice %arg6[%run_scoped3A_61, %dma_wait3A_106] : memref<4x128xi32, #tpu.memory_space<vmem>> -> memref<1x128xi32, #tpu.memory_space<vmem>>
      %dma_wait3A_108 = tpu.memref_squeeze %dma_wait3A_107 : memref<1x128xi32, #tpu.memory_space<vmem>> -> memref<128xi32, #tpu.memory_space<vmem>>
      %dma_wait3A_109 = tpu.memref_slice %arg3[%add3A_60] : memref<16384xi32, #tpu.memory_space<hbm>> -> memref<128xi32, #tpu.memory_space<hbm>>
      %dma_wait3A_110 = arith.constant 0 : i32
      %dma_wait3A_111 = tpu.memref_slice %arg6[%run_scoped3A_61, %dma_wait3A_110] : memref<4x128xi32, #tpu.memory_space<vmem>> -> memref<1x128xi32, #tpu.memory_space<vmem>>
      %dma_wait3A_112 = tpu.memref_squeeze %dma_wait3A_111 : memref<1x128xi32, #tpu.memory_space<vmem>> -> memref<128xi32, #tpu.memory_space<vmem>>
      %dma_wait3A_113 = tpu.memref_slice %arg3[%add3A_60] : memref<16384xi32, #tpu.memory_space<hbm>> -> memref<128xi32, #tpu.memory_space<hbm>>
      tpu.wait_dma2 semaphore(%run_scoped3A_97 : memref<!tpu.dma_semaphore, #tpu.memory_space<semaphore_mem>>) src(%dma_wait3A_113 : memref<128xi32, #tpu.memory_space<hbm>>) dst(%dma_wait3A_112 : memref<128xi32, #tpu.memory_space<vmem>>)
      tpu.yield
    }) : () -> ()
    %dma_start3A_62 = arith.constant 2 : i32
    %dma_start3A_63 = arith.constant 0 : i32
    %dma_start3A_64 = tpu.memref_slice %arg6[%dma_start3A_62, %dma_start3A_63] : memref<4x128xi32, #tpu.memory_space<vmem>> -> memref<1x128xi32, #tpu.memory_space<vmem>>
    %dma_start3A_65 = tpu.memref_squeeze %dma_start3A_64 : memref<1x128xi32, #tpu.memory_space<vmem>> -> memref<128xi32, #tpu.memory_space<vmem>>
    %dma_start3A_66 = arith.constant 0 : i32
    %dma_start3A_67 = arith.constant 0 : i32
    %dma_start3A_68 = tpu.memref_slice %arg2[%dma_start3A_66, %dma_start3A_67] : memref<8192x256xf32, #tpu.memory_space<hbm>> -> memref<8192x256xf32, #tpu.memory_space<hbm>>
    tpu.enqueue_indirect_dma source(%dma_start3A_68 : memref<8192x256xf32, #tpu.memory_space<hbm>>) target(%arg9 : memref<128x256xf32, #tpu.memory_space<vmem>>) offsets(%dma_start3A_65 : memref<128xi32, #tpu.memory_space<vmem>>) semaphore(%arg12 : memref<!tpu.dma_semaphore, #tpu.memory_space<semaphore_mem>>)
    %dma_wait3A_69 = arith.constant 2 : i32
    %dma_wait3A_70 = arith.constant 0 : i32
    %dma_wait3A_71 = tpu.memref_slice %arg6[%dma_wait3A_69, %dma_wait3A_70] : memref<4x128xi32, #tpu.memory_space<vmem>> -> memref<1x128xi32, #tpu.memory_space<vmem>>
    %dma_wait3A_72 = tpu.memref_squeeze %dma_wait3A_71 : memref<1x128xi32, #tpu.memory_space<vmem>> -> memref<128xi32, #tpu.memory_space<vmem>>
    %dma_wait3A_73 = arith.constant 0 : i32
    %dma_wait3A_74 = arith.constant 0 : i32
    %dma_wait3A_75 = tpu.memref_slice %arg2[%dma_wait3A_73, %dma_wait3A_74] : memref<8192x256xf32, #tpu.memory_space<hbm>> -> memref<8192x256xf32, #tpu.memory_space<hbm>>
    tpu.wait_indirect_dma semaphore(%arg12 : memref<!tpu.dma_semaphore, #tpu.memory_space<semaphore_mem>>) src(%dma_wait3A_75 : memref<8192x256xf32, #tpu.memory_space<hbm>>) dst(%arg9 : memref<128x256xf32, #tpu.memory_space<vmem>>)
    %add3A_76 = arith.constant 256 : i32
    %add3A_77 = arith.addi %mul3A_2, %add3A_76 : i32
    "tpu.region"() ({
      %run_scoped3A_97 = tpu.sem_alloc : memref<!tpu.dma_semaphore, #tpu.memory_space<semaphore_mem>>
      %dma_start3A_98 = arith.constant 0 : i32
      %dma_start3A_99 = tpu.memref_slice %arg4[%add3A_77, %dma_start3A_98] : memref<16384x256xf32, #tpu.memory_space<hbm>> -> memref<128x256xf32, #tpu.memory_space<hbm>>
      %dma_start3A_100 = arith.constant 0 : i32
      %dma_start3A_101 = tpu.memref_slice %arg4[%add3A_77, %dma_start3A_100] : memref<16384x256xf32, #tpu.memory_space<hbm>> -> memref<128x256xf32, #tpu.memory_space<hbm>>
      tpu.enqueue_dma source(%arg9 : memref<128x256xf32, #tpu.memory_space<vmem>>) target(%dma_start3A_101 : memref<128x256xf32, #tpu.memory_space<hbm>>) target_semaphore(%run_scoped3A_97 : memref<!tpu.dma_semaphore, #tpu.memory_space<semaphore_mem>>)
      %dma_wait3A_102 = arith.constant 0 : i32
      %dma_wait3A_103 = tpu.memref_slice %arg4[%add3A_77, %dma_wait3A_102] : memref<16384x256xf32, #tpu.memory_space<hbm>> -> memref<128x256xf32, #tpu.memory_space<hbm>>
      %dma_wait3A_104 = arith.constant 0 : i32
      %dma_wait3A_105 = tpu.memref_slice %arg4[%add3A_77, %dma_wait3A_104] : memref<16384x256xf32, #tpu.memory_space<hbm>> -> memref<128x256xf32, #tpu.memory_space<hbm>>
      tpu.wait_dma2 semaphore(%run_scoped3A_97 : memref<!tpu.dma_semaphore, #tpu.memory_space<semaphore_mem>>) src(%arg9 : memref<128x256xf32, #tpu.memory_space<vmem>>) dst(%dma_wait3A_105 : memref<128x256xf32, #tpu.memory_space<hbm>>)
      tpu.yield
    }) : () -> ()
    %add3A_78 = arith.constant 384 : i32
    %add3A_79 = arith.addi %mul3A_2, %add3A_78 : i32
    %run_scoped3A_80 = arith.constant 3 : i32
    "tpu.region"() ({
      %run_scoped3A_97 = tpu.sem_alloc : memref<!tpu.dma_semaphore, #tpu.memory_space<semaphore_mem>>
      %dma_start3A_98 = arith.constant 0 : i32
      %dma_start3A_99 = tpu.memref_slice %arg6[%run_scoped3A_80, %dma_start3A_98] : memref<4x128xi32, #tpu.memory_space<vmem>> -> memref<1x128xi32, #tpu.memory_space<vmem>>
      %dma_start3A_100 = tpu.memref_squeeze %dma_start3A_99 : memref<1x128xi32, #tpu.memory_space<vmem>> -> memref<128xi32, #tpu.memory_space<vmem>>
      %dma_start3A_101 = tpu.memref_slice %arg3[%add3A_79] : memref<16384xi32, #tpu.memory_space<hbm>> -> memref<128xi32, #tpu.memory_space<hbm>>
      %dma_start3A_102 = arith.constant 0 : i32
      %dma_start3A_103 = tpu.memref_slice %arg6[%run_scoped3A_80, %dma_start3A_102] : memref<4x128xi32, #tpu.memory_space<vmem>> -> memref<1x128xi32, #tpu.memory_space<vmem>>
      %dma_start3A_104 = tpu.memref_squeeze %dma_start3A_103 : memref<1x128xi32, #tpu.memory_space<vmem>> -> memref<128xi32, #tpu.memory_space<vmem>>
      %dma_start3A_105 = tpu.memref_slice %arg3[%add3A_79] : memref<16384xi32, #tpu.memory_space<hbm>> -> memref<128xi32, #tpu.memory_space<hbm>>
      tpu.enqueue_dma source(%dma_start3A_105 : memref<128xi32, #tpu.memory_space<hbm>>) target(%dma_start3A_104 : memref<128xi32, #tpu.memory_space<vmem>>) target_semaphore(%run_scoped3A_97 : memref<!tpu.dma_semaphore, #tpu.memory_space<semaphore_mem>>)
      %dma_wait3A_106 = arith.constant 0 : i32
      %dma_wait3A_107 = tpu.memref_slice %arg6[%run_scoped3A_80, %dma_wait3A_106] : memref<4x128xi32, #tpu.memory_space<vmem>> -> memref<1x128xi32, #tpu.memory_space<vmem>>
      %dma_wait3A_108 = tpu.memref_squeeze %dma_wait3A_107 : memref<1x128xi32, #tpu.memory_space<vmem>> -> memref<128xi32, #tpu.memory_space<vmem>>
      %dma_wait3A_109 = tpu.memref_slice %arg3[%add3A_79] : memref<16384xi32, #tpu.memory_space<hbm>> -> memref<128xi32, #tpu.memory_space<hbm>>
      %dma_wait3A_110 = arith.constant 0 : i32
      %dma_wait3A_111 = tpu.memref_slice %arg6[%run_scoped3A_80, %dma_wait3A_110] : memref<4x128xi32, #tpu.memory_space<vmem>> -> memref<1x128xi32, #tpu.memory_space<vmem>>
      %dma_wait3A_112 = tpu.memref_squeeze %dma_wait3A_111 : memref<1x128xi32, #tpu.memory_space<vmem>> -> memref<128xi32, #tpu.memory_space<vmem>>
      %dma_wait3A_113 = tpu.memref_slice %arg3[%add3A_79] : memref<16384xi32, #tpu.memory_space<hbm>> -> memref<128xi32, #tpu.memory_space<hbm>>
      tpu.wait_dma2 semaphore(%run_scoped3A_97 : memref<!tpu.dma_semaphore, #tpu.memory_space<semaphore_mem>>) src(%dma_wait3A_113 : memref<128xi32, #tpu.memory_space<hbm>>) dst(%dma_wait3A_112 : memref<128xi32, #tpu.memory_space<vmem>>)
      tpu.yield
    }) : () -> ()
    %dma_start3A_81 = arith.constant 3 : i32
    %dma_start3A_82 = arith.constant 0 : i32
    %dma_start3A_83 = tpu.memref_slice %arg6[%dma_start3A_81, %dma_start3A_82] : memref<4x128xi32, #tpu.memory_space<vmem>> -> memref<1x128xi32, #tpu.memory_space<vmem>>
    %dma_start3A_84 = tpu.memref_squeeze %dma_start3A_83 : memref<1x128xi32, #tpu.memory_space<vmem>> -> memref<128xi32, #tpu.memory_space<vmem>>
    %dma_start3A_85 = arith.constant 0 : i32
    %dma_start3A_86 = arith.constant 0 : i32
    %dma_start3A_87 = tpu.memref_slice %arg2[%dma_start3A_85, %dma_start3A_86] : memref<8192x256xf32, #tpu.memory_space<hbm>> -> memref<8192x256xf32, #tpu.memory_space<hbm>>
    tpu.enqueue_indirect_dma source(%dma_start3A_87 : memref<8192x256xf32, #tpu.memory_space<hbm>>) target(%arg9 : memref<128x256xf32, #tpu.memory_space<vmem>>) offsets(%dma_start3A_84 : memref<128xi32, #tpu.memory_space<vmem>>) semaphore(%arg12 : memref<!tpu.dma_semaphore, #tpu.memory_space<semaphore_mem>>)
    %dma_wait3A_88 = arith.constant 3 : i32
    %dma_wait3A_89 = arith.constant 0 : i32
    %dma_wait3A_90 = tpu.memref_slice %arg6[%dma_wait3A_88, %dma_wait3A_89] : memref<4x128xi32, #tpu.memory_space<vmem>> -> memref<1x128xi32, #tpu.memory_space<vmem>>
    %dma_wait3A_91 = tpu.memref_squeeze %dma_wait3A_90 : memref<1x128xi32, #tpu.memory_space<vmem>> -> memref<128xi32, #tpu.memory_space<vmem>>
    %dma_wait3A_92 = arith.constant 0 : i32
    %dma_wait3A_93 = arith.constant 0 : i32
    %dma_wait3A_94 = tpu.memref_slice %arg2[%dma_wait3A_92, %dma_wait3A_93] : memref<8192x256xf32, #tpu.memory_space<hbm>> -> memref<8192x256xf32, #tpu.memory_space<hbm>>
    tpu.wait_indirect_dma semaphore(%arg12 : memref<!tpu.dma_semaphore, #tpu.memory_space<semaphore_mem>>) src(%dma_wait3A_94 : memref<8192x256xf32, #tpu.memory_space<hbm>>) dst(%arg9 : memref<128x256xf32, #tpu.memory_space<vmem>>)
    %add3A_95 = arith.constant 384 : i32
    %add3A_96 = arith.addi %mul3A_2, %add3A_95 : i32
    "tpu.region"() ({
      %run_scoped3A_97 = tpu.sem_alloc : memref<!tpu.dma_semaphore, #tpu.memory_space<semaphore_mem>>
      %dma_start3A_98 = arith.constant 0 : i32
      %dma_start3A_99 = tpu.memref_slice %arg4[%add3A_96, %dma_start3A_98] : memref<16384x256xf32, #tpu.memory_space<hbm>> -> memref<128x256xf32, #tpu.memory_space<hbm>>
      %dma_start3A_100 = arith.constant 0 : i32
      %dma_start3A_101 = tpu.memref_slice %arg4[%add3A_96, %dma_start3A_100] : memref<16384x256xf32, #tpu.memory_space<hbm>> -> memref<128x256xf32, #tpu.memory_space<hbm>>
      tpu.enqueue_dma source(%arg9 : memref<128x256xf32, #tpu.memory_space<vmem>>) target(%dma_start3A_101 : memref<128x256xf32, #tpu.memory_space<hbm>>) target_semaphore(%run_scoped3A_97 : memref<!tpu.dma_semaphore, #tpu.memory_space<semaphore_mem>>)
      %dma_wait3A_102 = arith.constant 0 : i32
      %dma_wait3A_103 = tpu.memref_slice %arg4[%add3A_96, %dma_wait3A_102] : memref<16384x256xf32, #tpu.memory_space<hbm>> -> memref<128x256xf32, #tpu.memory_space<hbm>>
      %dma_wait3A_104 = arith.constant 0 : i32
      %dma_wait3A_105 = tpu.memref_slice %arg4[%add3A_96, %dma_wait3A_104] : memref<16384x256xf32, #tpu.memory_space<hbm>> -> memref<128x256xf32, #tpu.memory_space<hbm>>
      tpu.wait_dma2 semaphore(%run_scoped3A_97 : memref<!tpu.dma_semaphore, #tpu.memory_space<semaphore_mem>>) src(%arg9 : memref<128x256xf32, #tpu.memory_space<vmem>>) dst(%dma_wait3A_105 : memref<128x256xf32, #tpu.memory_space<hbm>>)
      tpu.yield
    }) : () -> ()
    return
  }
}

module attributes {stable_mosaic.version = 14 : i64} {
  func.func @_argmin_body(%arg0: i32, %arg1: memref<1x256x1024xf32, #tpu.memory_space<vmem>>, %arg2: memref<8192x256xf32, #tpu.memory_space<vmem>>, %arg3: memref<1x1x1024xf32, #tpu.memory_space<vmem>>, %arg4: memref<1x8192xf32, #tpu.memory_space<vmem>>, %arg5: memref<1x1x1024xi32, #tpu.memory_space<vmem>>, %arg6: memref<1x1xf32, #tpu.memory_space<vmem>>, %arg7: memref<1x1xf32, #tpu.memory_space<smem>>) attributes {dimension_semantics = [#tpu.dimension_semantics<arbitrary>], iteration_bounds = array<i64: 16>, scalar_prefetch = 0 : i64, scratch_operands = 1 : i64, tpu.core_type = #tpu.core_type<tc>, window_params = [{transform_indices = @transform_0, window_bounds = array<i64: 1, 256, 1024>}, {pipeline_mode = #tpu.pipeline_mode<synchronous>, transform_indices = @transform_1, window_bounds = array<i64: 8192, 256>}, {transform_indices = @transform_2, window_bounds = array<i64: 1, 1, 1024>}, {pipeline_mode = #tpu.pipeline_mode<synchronous>, transform_indices = @transform_3, window_bounds = array<i64: 1, 8192>}, {transform_indices = @transform_4, window_bounds = array<i64: 1, 1, 1024>}, {pipeline_mode = #tpu.pipeline_mode<synchronous>, transform_indices = @transform_5, window_bounds = array<i64: 1, 1>}]} {
    %get3A = arith.constant 0 : index
    %get3A_0 = arith.constant 0 : index
    %get3A_1 = arith.constant 0 : index
    %get3A_2 = vector.load %arg1[%get3A, %get3A_0, %get3A_1] : memref<1x256x1024xf32, #tpu.memory_space<vmem>>, vector<1x256x1024xf32>
    %get3A_3 = vector.shape_cast %get3A_2 : vector<1x256x1024xf32> to vector<256x1024xf32>
    %get3A_4 = arith.constant 0 : index
    %get3A_5 = arith.constant 0 : index
    %get3A_6 = arith.constant 0 : index
    %get3A_7 = vector.load %arg3[%get3A_4, %get3A_5, %get3A_6] : memref<1x1x1024xf32, #tpu.memory_space<vmem>>, vector<1x1x1024xf32>
    %get3A_8 = vector.shape_cast %get3A_7 : vector<1x1x1024xf32> to vector<1024xf32>
    %broadcast_in_dim3A = arith.constant 0x7F800000 : f32
    %broadcast_in_dim3A_9 = vector.broadcast %broadcast_in_dim3A : f32 to vector<1024xf32>
    %broadcast_in_dim3A_10 = arith.constant 0 : i32
    %broadcast_in_dim3A_11 = vector.broadcast %broadcast_in_dim3A_10 : i32 to vector<1024xi32>
    %scan3A = arith.constant 0 : i32
    %scan3A_12 = arith.constant 8 : i32
    %scan3A_13 = arith.addi %scan3A, %scan3A_12 : i32
    %scan3A_14 = arith.constant 1 : i32
    %scan3A_15:2 = scf.for %scan3A_39 = %scan3A to %scan3A_13 step %scan3A_14 iter_args(%scan3A_40 = %broadcast_in_dim3A_9, %scan3A_41 = %broadcast_in_dim3A_11) -> (vector<1024xf32>, vector<1024xi32>)  : i32 {
      %mul3A = arith.constant 1024 : i32
      %mul3A_42 = arith.muli %scan3A_39, %mul3A : i32
      %get3A_43 = arith.index_cast %mul3A_42 : i32 to index
      %get3A_44 = arith.constant 0 : index
      %get3A_45 = vector.load %arg2[%get3A_43, %get3A_44] : memref<8192x256xf32, #tpu.memory_space<vmem>>, vector<1024x256xf32>
      %mul3A_46 = arith.constant 1024 : i32
      %mul3A_47 = arith.muli %scan3A_39, %mul3A_46 : i32
      %get3A_48 = arith.constant 0 : index
      %get3A_49 = arith.index_cast %mul3A_47 : i32 to index
      %get3A_50 = vector.load %arg4[%get3A_48, %get3A_49] : memref<1x8192xf32, #tpu.memory_space<vmem>>, vector<1x1024xf32>
      %get3A_51 = vector.shape_cast %get3A_50 : vector<1x1024xf32> to vector<1024xf32>
      %dot_general3A = arith.constant dense<0.000000e+00> : vector<1024x1024xf32>
      %dot_general3A_52 = tpu.matmul %get3A_45, %get3A_3, %dot_general3A {dimension_numbers = #tpu.dot_dimension_numbers<[1], [0], [0], [1], [0, 0, 1, 1], [], []>, transpose_lhs_hint = false} : vector<1024x256xf32>, vector<256x1024xf32>, vector<1024x1024xf32> -> vector<1024x1024xf32>
      %broadcast_in_dim3A_53 = vector.shape_cast %get3A_8 : vector<1024xf32> to vector<1x1024xf32>
      %broadcast_in_dim3A_54 = vector.shape_cast %get3A_51 : vector<1024xf32> to vector<1024x1xf32>
      %add3A_55 = vector.broadcast %broadcast_in_dim3A_53 : vector<1x1024xf32> to vector<1024x1024xf32>
      %add3A_56 = vector.broadcast %broadcast_in_dim3A_54 : vector<1024x1xf32> to vector<1024x1024xf32>
      %add3A_57 = arith.addf %add3A_55, %add3A_56 : vector<1024x1024xf32>
      %mul3A_58 = arith.constant 2.000000e+00 : f32
      %mul3A_59 = vector.broadcast %mul3A_58 : f32 to vector<1024x1024xf32>
      %mul3A_60 = arith.mulf %mul3A_59, %dot_general3A_52 : vector<1024x1024xf32>
      %sub3A = arith.subf %add3A_57, %mul3A_60 : vector<1024x1024xf32>
      %reduce_min3A = arith.constant dense<0x7F800000> : vector<1024xf32>
      %reduce_min3A_61 = vector.multi_reduction <minimumf>, %sub3A, %reduce_min3A [0] : vector<1024x1024xf32> to vector<1024xf32>
      %iota3A = tpu.iota {dimensions = array<i32: 0>} : vector<1024x1024xi32>
      %mul3A_62 = arith.constant 1024 : i32
      %mul3A_63 = arith.muli %scan3A_39, %mul3A_62 : i32
      %add3A_64 = vector.broadcast %mul3A_63 : i32 to vector<1024x1024xi32>
      %add3A_65 = arith.addi %iota3A, %add3A_64 : vector<1024x1024xi32>
      %broadcast_in_dim3A_66 = vector.shape_cast %reduce_min3A_61 : vector<1024xf32> to vector<1x1024xf32>
      %eq3A_67 = vector.broadcast %broadcast_in_dim3A_66 : vector<1x1024xf32> to vector<1024x1024xf32>
      %eq3A_68 = arith.cmpf oeq, %sub3A, %eq3A_67 : vector<1024x1024xf32>
      %jit3A = arith.constant 8192 : i32
      %broadcast_in_dim3A_69 = vector.broadcast %jit3A : i32 to vector<1024x1024xi32>
      %select_n3A = arith.select %eq3A_68, %add3A_65, %broadcast_in_dim3A_69 : vector<1024x1024xi1>, vector<1024x1024xi32>
      %reduce_min3A_70 = arith.constant dense<2147483647> : vector<1024xi32>
      %reduce_min3A_71 = vector.multi_reduction <minsi>, %select_n3A, %reduce_min3A_70 [0] : vector<1024x1024xi32> to vector<1024xi32>
      %lt3A = arith.cmpf olt, %reduce_min3A_61, %scan3A_40 : vector<1024xf32>
      %select_n3A_72 = arith.select %lt3A, %reduce_min3A_61, %scan3A_40 : vector<1024xi1>, vector<1024xf32>
      %select_n3A_73 = arith.select %lt3A, %reduce_min3A_71, %scan3A_41 : vector<1024xi1>, vector<1024xi32>
      scf.yield %select_n3A_72, %select_n3A_73 : vector<1024xf32>, vector<1024xi32>
    }
    %scan3A_16 = arith.constant 8 : i32
    %swap3A = arith.constant 0 : index
    %swap3A_17 = arith.constant 0 : index
    %swap3A_18 = arith.constant 0 : index
    %swap3A_19 = vector.load %arg5[%swap3A, %swap3A_17, %swap3A_18] : memref<1x1x1024xi32, #tpu.memory_space<vmem>>, vector<1x1x1024xi32>
    %swap3A_20 = vector.shape_cast %swap3A_19 : vector<1x1x1024xi32> to vector<1024xi32>
    %swap3A_21 = vector.shape_cast %scan3A_15#1 : vector<1024xi32> to vector<1x1x1024xi32>
    tpu.vector_store %arg5[%swap3A, %swap3A_17, %swap3A_18], %swap3A_21 {strides = array<i32>} : memref<1x1x1024xi32, #tpu.memory_space<vmem>>, vector<1x1x1024xi32>,
    %eq3A = arith.constant 0 : i32
    %eq3A_22 = arith.cmpi eq, %arg0, %eq3A : i32
    %convert_element_type3A = arith.extui %eq3A_22 : i1 to i32
    %cond3A = arith.constant 0 : i32
    %cond3A_23 = arith.cmpi ne, %convert_element_type3A, %cond3A : i32
    scf.if %cond3A_23 {
      %swap3A_39 = arith.constant 0.000000e+00 : f32
      %swap3A_40 = arith.constant 0 : index
      %swap3A_41 = arith.constant 0 : index
      %swap3A_42 = memref.load %arg7[%swap3A_40, %swap3A_41] : memref<1x1xf32, #tpu.memory_space<smem>>
      memref.store %swap3A_39, %arg7[%swap3A_40, %swap3A_41] : memref<1x1xf32, #tpu.memory_space<smem>>
    } else {
    }
    %get3A_24 = arith.constant 0 : index
    %get3A_25 = arith.constant 0 : index
    %get3A_26 = memref.load %arg7[%get3A_24, %get3A_25] : memref<1x1xf32, #tpu.memory_space<smem>>
    %reduce_sum3A = vector.shape_cast %scan3A_15#0 : vector<1024xf32> to vector<1x1024xf32>
    %reduce_sum3A_27 = arith.constant dense<0.000000e+00> : vector<1xf32>
    %reduce_sum3A_28 = vector.multi_reduction <add>, %reduce_sum3A, %reduce_sum3A_27 [1] : vector<1x1024xf32> to vector<1xf32>
    %reduce_sum3A_29 = vector.shape_cast %reduce_sum3A_28 : vector<1xf32> to vector<1x1xf32>
    %reduce_sum3A_30 = vector.extract %reduce_sum3A_29[0, 0] : f32 from vector<1x1xf32>
    %add3A = arith.addf %get3A_26, %reduce_sum3A_30 : f32
    %swap3A_31 = arith.constant 0 : index
    %swap3A_32 = arith.constant 0 : index
    %swap3A_33 = memref.load %arg7[%swap3A_31, %swap3A_32] : memref<1x1xf32, #tpu.memory_space<smem>>
    memref.store %add3A, %arg7[%swap3A_31, %swap3A_32] : memref<1x1xf32, #tpu.memory_space<smem>>
    %eq3A_34 = arith.constant 15 : i32
    %eq3A_35 = arith.cmpi eq, %arg0, %eq3A_34 : i32
    %convert_element_type3A_36 = arith.extui %eq3A_35 : i1 to i32
    %cond3A_37 = arith.constant 0 : i32
    %cond3A_38 = arith.cmpi ne, %convert_element_type3A_36, %cond3A_37 : i32
    scf.if %cond3A_38 {
      %get3A_39 = arith.constant 0 : index
      %get3A_40 = arith.constant 0 : index
      %get3A_41 = memref.load %arg7[%get3A_39, %get3A_40] : memref<1x1xf32, #tpu.memory_space<smem>>
      %mul3A = arith.constant 2.98023224E-7 : f32
      %mul3A_42 = arith.mulf %get3A_41, %mul3A : f32
      %broadcast_in_dim3A_43 = vector.broadcast %mul3A_42 : f32 to vector<1x1xf32>
      %swap3A_44 = arith.constant 0 : index
      %swap3A_45 = arith.constant 0 : index
      %swap3A_46 = vector.load %arg6[%swap3A_44, %swap3A_45] : memref<1x1xf32, #tpu.memory_space<vmem>>, vector<1x1xf32>
      tpu.vector_store %arg6[%swap3A_44, %swap3A_45], %broadcast_in_dim3A_43 {strides = array<i32>} : memref<1x1xf32, #tpu.memory_space<vmem>>, vector<1x1xf32>,
    } else {
    }
    return
  }
  func.func @transform_0(%arg0: i32) -> (i32, i32, i32) {
    %c0_i32 = arith.constant 0 : i32
    %c0_i32_0 = arith.constant 0 : i32
    %c0_i32_1 = arith.constant 0 : i32
    return %arg0, %c0_i32, %c0_i32_0 : i32, i32, i32
  }
  func.func @transform_1(%arg0: i32) -> (i32, i32) {
    %c0_i32 = arith.constant 0 : i32
    %c0_i32_0 = arith.constant 0 : i32
    %c0_i32_1 = arith.constant 0 : i32
    return %c0_i32, %c0_i32_0 : i32, i32
  }
  func.func @transform_2(%arg0: i32) -> (i32, i32, i32) {
    %c0_i32 = arith.constant 0 : i32
    %c0_i32_0 = arith.constant 0 : i32
    %c0_i32_1 = arith.constant 0 : i32
    return %arg0, %c0_i32, %c0_i32_0 : i32, i32, i32
  }
  func.func @transform_3(%arg0: i32) -> (i32, i32) {
    %c0_i32 = arith.constant 0 : i32
    %c0_i32_0 = arith.constant 0 : i32
    %c0_i32_1 = arith.constant 0 : i32
    return %c0_i32, %c0_i32_0 : i32, i32
  }
  func.func @transform_4(%arg0: i32) -> (i32, i32, i32) {
    %c0_i32 = arith.constant 0 : i32
    %c0_i32_0 = arith.constant 0 : i32
    %c0_i32_1 = arith.constant 0 : i32
    return %arg0, %c0_i32, %c0_i32_0 : i32, i32, i32
  }
  func.func @transform_5(%arg0: i32) -> (i32, i32) {
    %c0_i32 = arith.constant 0 : i32
    %c0_i32_0 = arith.constant 0 : i32
    %c0_i32_1 = arith.constant 0 : i32
    return %c0_i32, %c0_i32_0 : i32, i32
  }
}

module attributes {stable_mosaic.version = 14 : i64} {
  func.func @_fin_body(%arg0: i32, %arg1: memref<1x256x1024xf32, #tpu.memory_space<vmem>>, %arg2: memref<1x1024x256xf32, #tpu.memory_space<vmem>>, %arg3: memref<2x8192xf32, #tpu.memory_space<vmem>>, %arg4: memref<1x256x1024xf32, #tpu.memory_space<vmem>>, %arg5: memref<1x1xf32, #tpu.memory_space<vmem>>) attributes {dimension_semantics = [#tpu.dimension_semantics<arbitrary>], iteration_bounds = array<i64: 16>, scalar_prefetch = 0 : i64, scratch_operands = 0 : i64, tpu.core_type = #tpu.core_type<tc>, window_params = [{transform_indices = @transform_0, window_bounds = array<i64: 1, 256, 1024>}, {transform_indices = @transform_1, window_bounds = array<i64: 1, 1024, 256>}, {pipeline_mode = #tpu.pipeline_mode<synchronous>, transform_indices = @transform_2, window_bounds = array<i64: 2, 8192>}, {transform_indices = @transform_3, window_bounds = array<i64: 1, 256, 1024>}, {pipeline_mode = #tpu.pipeline_mode<synchronous>, transform_indices = @transform_4, window_bounds = array<i64: 1, 1>}]} {
    %get3A = arith.constant 0 : index
    %get3A_0 = arith.constant 0 : index
    %get3A_1 = arith.constant 0 : index
    %get3A_2 = vector.load %arg1[%get3A, %get3A_0, %get3A_1] : memref<1x256x1024xf32, #tpu.memory_space<vmem>>, vector<1x256x1024xf32>
    %get3A_3 = vector.shape_cast %get3A_2 : vector<1x256x1024xf32> to vector<256x1024xf32>
    %get3A_4 = arith.constant 0 : index
    %get3A_5 = arith.constant 0 : index
    %get3A_6 = arith.constant 0 : index
    %get3A_7 = vector.load %arg2[%get3A_4, %get3A_5, %get3A_6] : memref<1x1024x256xf32, #tpu.memory_space<vmem>>, vector<1x1024x256xf32>
    %get3A_8 = vector.shape_cast %get3A_7 : vector<1x1024x256xf32> to vector<1024x256xf32>
    %transpose3A = tpu.transpose %get3A_8, [1, 0] : vector<1024x256xf32> -> vector<256x1024xf32>
    %sub3A = arith.subf %transpose3A, %get3A_3 : vector<256x1024xf32>
    %add3A = arith.addf %get3A_3, %sub3A : vector<256x1024xf32>
    %swap3A = arith.constant 0 : index
    %swap3A_9 = arith.constant 0 : index
    %swap3A_10 = arith.constant 0 : index
    %swap3A_11 = vector.load %arg4[%swap3A, %swap3A_9, %swap3A_10] : memref<1x256x1024xf32, #tpu.memory_space<vmem>>, vector<1x256x1024xf32>
    %swap3A_12 = vector.shape_cast %swap3A_11 : vector<1x256x1024xf32> to vector<256x1024xf32>
    %swap3A_13 = vector.shape_cast %add3A : vector<256x1024xf32> to vector<1x256x1024xf32>
    tpu.vector_store %arg4[%swap3A, %swap3A_9, %swap3A_10], %swap3A_13 {strides = array<i32>} : memref<1x256x1024xf32, #tpu.memory_space<vmem>>, vector<1x256x1024xf32>,
    %eq3A = arith.constant 0 : i32
    %eq3A_14 = arith.cmpi eq, %arg0, %eq3A : i32
    %convert_element_type3A = arith.extui %eq3A_14 : i1 to i32
    %cond3A = arith.constant 0 : i32
    %cond3A_15 = arith.cmpi ne, %convert_element_type3A, %cond3A : i32
    scf.if %cond3A_15 {
      %get3A_16 = arith.constant 0 : index
      %get3A_17 = arith.constant 0 : index
      %get3A_18 = vector.load %arg3[%get3A_16, %get3A_17] : memref<2x8192xf32, #tpu.memory_space<vmem>>, vector<2x8192xf32>
      %reduce_sum3A = arith.constant dense<0.000000e+00> : vector<8192xf32>
      %reduce_sum3A_19 = vector.multi_reduction <add>, %get3A_18, %reduce_sum3A [0] : vector<2x8192xf32> to vector<8192xf32>
      %mul3A = arith.constant 6.10351563E-5 : f32
      %mul3A_20 = vector.broadcast %mul3A : f32 to vector<8192xf32>
      %mul3A_21 = arith.mulf %reduce_sum3A_19, %mul3A_20 : vector<8192xf32>
      %add3A_22 = arith.constant 1.000000e-10 : f32
      %add3A_23 = vector.broadcast %add3A_22 : f32 to vector<8192xf32>
      %add3A_24 = arith.addf %mul3A_21, %add3A_23 : vector<8192xf32>
      %log3A = math.log %add3A_24 : vector<8192xf32>
      %mul3A_25 = arith.mulf %mul3A_21, %log3A : vector<8192xf32>
      %reduce_sum3A_26 = vector.shape_cast %mul3A_25 : vector<8192xf32> to vector<1x8192xf32>
      %reduce_sum3A_27 = arith.constant dense<0.000000e+00> : vector<1xf32>
      %reduce_sum3A_28 = vector.multi_reduction <add>, %reduce_sum3A_26, %reduce_sum3A_27 [1] : vector<1x8192xf32> to vector<1xf32>
      %reduce_sum3A_29 = vector.shape_cast %reduce_sum3A_28 : vector<1xf32> to vector<1x1xf32>
      %reduce_sum3A_30 = vector.extract %reduce_sum3A_29[0, 0] : f32 from vector<1x1xf32>
      %neg3A = arith.constant 0.000000e+00 : f32
      %neg3A_31 = arith.subf %neg3A, %reduce_sum3A_30 : f32
      %exp3A = math.exp %neg3A_31 : f32
      %broadcast_in_dim3A = vector.broadcast %exp3A : f32 to vector<1x1xf32>
      %swap3A_32 = arith.constant 0 : index
      %swap3A_33 = arith.constant 0 : index
      %swap3A_34 = vector.load %arg5[%swap3A_32, %swap3A_33] : memref<1x1xf32, #tpu.memory_space<vmem>>, vector<1x1xf32>
      tpu.vector_store %arg5[%swap3A_32, %swap3A_33], %broadcast_in_dim3A {strides = array<i32>} : memref<1x1xf32, #tpu.memory_space<vmem>>, vector<1x1xf32>,
    } else {
    }
    return
  }
  func.func @transform_0(%arg0: i32) -> (i32, i32, i32) {
    %c0_i32 = arith.constant 0 : i32
    %c0_i32_0 = arith.constant 0 : i32
    %c0_i32_1 = arith.constant 0 : i32
    return %arg0, %c0_i32, %c0_i32_0 : i32, i32, i32
  }
  func.func @transform_1(%arg0: i32) -> (i32, i32, i32) {
    %c0_i32 = arith.constant 0 : i32
    %c0_i32_0 = arith.constant 0 : i32
    %c0_i32_1 = arith.constant 0 : i32
    return %arg0, %c0_i32, %c0_i32_0 : i32, i32, i32
  }
  func.func @transform_2(%arg0: i32) -> (i32, i32) {
    %c0_i32 = arith.constant 0 : i32
    %c0_i32_0 = arith.constant 0 : i32
    %c0_i32_1 = arith.constant 0 : i32
    return %c0_i32, %c0_i32_0 : i32, i32
  }
  func.func @transform_3(%arg0: i32) -> (i32, i32, i32) {
    %c0_i32 = arith.constant 0 : i32
    %c0_i32_0 = arith.constant 0 : i32
    %c0_i32_1 = arith.constant 0 : i32
    return %arg0, %c0_i32, %c0_i32_0 : i32, i32, i32
  }
  func.func @transform_4(%arg0: i32) -> (i32, i32) {
    %c0_i32 = arith.constant 0 : i32
    %c0_i32_0 = arith.constant 0 : i32
    %c0_i32_1 = arith.constant 0 : i32
    return %c0_i32, %c0_i32_0 : i32, i32
  }
}

</mosaic_0001>

<sc_bundles>
// kernel: kernel.5.cloned.1.call-start
scs
__scs_entry_jumppad:
0x0: {  	(pc) =	sbr.rel $0x88, $3  }
0x1: {  	(tag) =	ssettag $0x0;
	lr =	simm.s32 $0x1  }
0x2: {  	[smem:$0x3F9F] =	sst lr;
	_ =	strace $0xD0000000  }
0x3: {  	_ = 	snop  }
0x4: {  	_ = 	snop  }
0x5: {  	_ = 	snop  }
0x6: {  	_ = 	snop  }
0x7: {  	_ = 	snop  }
__scs_overlays_trampoline_lowered:
0x8: {  	[smem:$0x3FAE] =	sst s0  }
0x9: {  	[smem:$0x3FAF] =	sst s1  }
0xa: {  	[smem:$0x3FB0] =	sst s2  }
0xb: {  	[smem:$0x3FB1] =	sst s3  }
0xc: {  	[smem:$0x3FB2] =	sst s4  }
0xd: {  	[smem:$0x3FB3] =	sst s5  }
0xe: {  	[smem:$0x3FB4] =	sst s6  }
0xf: {  	[smem:$0x3FB5] =	sst s7  }
0x10: {  	[smem:$0x3FB6] =	sst s8  }
0x11: {  	[smem:$0x3FB7] =	sst s9;
	s0 =	simm.s32 @!p0 $0x0  }
0x12: {  	s1 =	sld [smem:$0x3F9D];
	s0 =	simm.s32 @p0 $0x1  }
0x13: {  	[smem:$0x3FB8] =	sst s0;
	s0 =	simm.s32 @!p1 $0x0  }
0x14: {  	s2 =	sld [smem:$0x3F9C];
	s0 =	simm.s32 @p1 $0x1  }
0x15: {  	[smem:$0x3FB9] =	sst s0;
	s0 =	simm.s32 @!p2 $0x0  }
0x16: {  	s3 =	sld [smem:$0x3FDB];
	s0 =	simm.s32 @p2 $0x1  }
0x17: {  	s4 =	simm.s32 $0x1BF5;
	[smem:$0x3FBB] =	sst s0  }
0x18: {  	s0 =	sld [smem:$0x3F9E];
	_ =	swait.ge [sflag:s4], $0x0  }
0x19: {  	s7 =	sld [smem:$0x3F9F]  }
0x1a: {  	s8 =	sadd.s32 $0xFFFFE003, lr  }
0x1b: {  	s9 =	sadd.s32 $0xFFFFFEF7, lr;
	s5 =	simm.s32 $0xFFFFFFFF;
	p2 =	slt.u32 s8, $0xFFFFF086  }
0x1c: {  	p1 =	slt.u32 s9, $0xF7A;
	s5 =	simm.s32 @!p2 $0x0  }
0x1d: {  	s5 =	simm.s32 @p1 $0x1;
	p0 =	seq.s32 s7, s2  }
0x1e: {  	s7 =	smul.u32 @!p0 $0xF7A, s2;
	p2 =	seq.s32 @!p0 s5, $0x0  }
0x1f: {  	s9 =	smul.u32 $0xF7A, s1;
	s8 =	simm.s32 @!p0 $0x1BF5;
	p2 =	por !p2, p0  }
0x20: {  	[sflag:s8] =	ssyncset.s32 @!p0 $0xFFFFF086;
	s6 =	sadd.s32 @!p0 s3, s7;
	s7 =	simm.s32 @!p0 $0x108  }
0x21: {  	s3 =	sadd.s32 s3, s9;
	s6 =	sadd.s32 @!p0 $0x88, s6;
	s7 =	simm.s32 @p2 $0x1082  }
0x22: {  	[simem:s7], [sflag:s8] =	dma.local @!p0 [hbm:s6], $0xF7A  }
0x23: {  	s9 =	sor.u32 $0xD0000000, s2;
	s6 =	simm.s32 $0x108;
	_ =	swait.ge @!p0 [sflag:s8], $0x0  }
0x24: {  	s3 =	sadd.s32 $0x88, s3;
	s6 =	simm.s32 @!p1 $0x1082;
	[sflag:s4] =	ssyncset.s32 $0xFFFFF086  }
0x25: {  	[simem:s6], [sflag:s4] =	dma.local [hbm:s3], $0xF7A  }
0x26: {  	[smem:$0x3F9F] =	sst s1;
	(tag) =	ssettag s2;
	_ =	strace s9  }
0x27: {  	s1 =	sld [smem:$0x3FAF]  }
0x28: {  	s2 =	sld [smem:$0x3FB0]  }
0x29: {  	s4 =	sld [smem:$0x3FB2]  }
0x2a: {  	p0 =	seq.s32 s5, $0x0;
	s5 =	sld [smem:$0x3FB3]  }
0x2b: {  	s6 =	sld [smem:$0x3FB4]  }
0x2c: {  	s7 =	sld [smem:$0x3FB5]  }
0x2d: {  	s3 =	simm.s32 $0x108;
	s8 =	sld [smem:$0x3FB6]  }
0x2e: {  	s3 =	simm.s32 @!p0 $0x1082;
	s9 =	sld [smem:$0x3FB7]  }
0x2f: {  	lr =	sadd.s32 s0, s3;
	s0 =	sld [smem:$0x3FAE]  }
0x30: {  	s3 =	sld [smem:$0x3FB1]  }
0x31: {  	[smem:$0x3FBA] =	sst s10  }
0x32: {  	s10 =	sld [smem:$0x3FB8];
	_ =	sdelay $0x3  }
0x33: {  	p0 =	seq.s32 s10, $0x1;
	s10 =	sld [smem:$0x3FBA];
	_ =	sdelay $0x3  }
0x34: {  	[smem:$0x3FBA] =	sst s10  }
0x35: {  	s10 =	sld [smem:$0x3FB9];
	_ =	sdelay $0x3  }
0x36: {  	p1 =	seq.s32 s10, $0x1;
	s10 =	sld [smem:$0x3FBA];
	_ =	sdelay $0x3  }
0x37: {  	[smem:$0x3FBA] =	sst s10  }
0x38: {  	s10 =	sld [smem:$0x3FBB]  }
0x39: {  	_ = 	snop;
	(pc) =	sbr.ind lr, $3  }
0x3a: {  	_ = 	snop  }
0x3b: {  	_ = 	snop  }
0x3c: {  	p2 =	seq.s32 s10, $0x1;
	s10 =	sld [smem:$0x3FBA]  }
0x3d: {  	_ =	shalt  }
0x3e: {  	_ =	shalt  }
0x3f: {  	_ =	shalt  }
0x40: {  	_ =	shalt  }
0x41: {  	_ =	shalt  }
0x42: {  	_ =	shalt  }
0x43: {  	_ =	shalt  }
0x44: {  	_ =	shalt  }
0x45: {  	_ =	shalt  }
0x46: {  	_ =	shalt  }
0x47: {  	_ =	shalt  }
0x48: {  	_ =	shalt  }
0x49: {  	_ =	shalt  }
0x4a: {  	_ =	shalt  }
0x4b: {  	_ =	shalt  }
0x4c: {  	_ =	shalt  }
0x4d: {  	_ =	shalt  }
0x4e: {  	_ =	shalt  }
0x4f: {  	_ =	shalt  }
0x50: {  	_ =	shalt  }
0x51: {  	_ =	shalt  }
0x52: {  	_ =	shalt  }
0x53: {  	_ =	shalt  }
0x54: {  	_ =	shalt  }
0x55: {  	_ =	shalt  }
0x56: {  	_ =	shalt  }
0x57: {  	_ =	shalt  }
0x58: {  	_ =	shalt  }
0x59: {  	_ =	shalt  }
0x5a: {  	_ =	shalt  }
0x5b: {  	_ =	shalt  }
0x5c: {  	_ =	shalt  }
0x5d: {  	_ =	shalt  }
0x5e: {  	_ =	shalt  }
0x5f: {  	_ =	shalt  }
0x60: {  	_ =	shalt  }
0x61: {  	_ =	shalt  }
0x62: {  	_ =	shalt  }
0x63: {  	_ =	shalt  }
0x64: {  	_ =	shalt  }
0x65: {  	_ =	shalt  }
0x66: {  	_ =	shalt  }
0x67: {  	_ =	shalt  }
0x68: {  	_ =	shalt  }
0x69: {  	_ =	shalt  }
0x6a: {  	_ =	shalt  }
0x6b: {  	_ =	shalt  }
0x6c: {  	_ =	shalt  }
0x6d: {  	_ =	shalt  }
0x6e: {  	_ =	shalt  }
0x6f: {  	_ =	shalt  }
0x70: {  	_ =	shalt  }
0x71: {  	_ =	shalt  }
0x72: {  	_ =	shalt  }
0x73: {  	_ =	shalt  }
0x74: {  	_ =	shalt  }
0x75: {  	_ =	shalt  }
0x76: {  	_ =	shalt  }
0x77: {  	_ =	shalt  }
0x78: {  	_ =	shalt  }
0x79: {  	_ =	shalt  }
0x7a: {  	_ =	shalt  }
0x7b: {  	_ =	shalt  }
0x7c: {  	_ =	shalt  }
0x7d: {  	_ =	shalt  }
0x7e: {  	_ =	shalt  }
0x7f: {  	_ =	shalt  }
0x80: {  	_ =	shalt  }
0x81: {  	_ =	shalt  }
0x82: {  	_ =	shalt  }
0x83: {  	_ =	shalt  }
0x84: {  	_ =	shalt  }
0x85: {  	_ =	shalt  }
0x86: {  	_ =	shalt  }
0x87: {  	_ =	shalt  }
.Lfunc_end0:
.L_simem_size_0:
called_computation_lowered:
.L_overlay_start_0:
0x88: {  	s2 =	sld [smem:$0x3FD9]  }
0x89: {  	s3 =	sld [smem:$0x3FFE];
	_ =	sdelay $0x1  }
0x8a: {  	s1 =	srdreg.scid  }
0x8b: {  	s0 =	sand.u32 $0x1, s1  }
0x8c: {  	s17 =	sshll.u32 s0, $0xA;
	s2 =	sadd.s32 s3, s2  }
0x8d: {  	s2 =	sadd.s32 s2, s17  }
0x8e: {  	[smem:$0x3FC6] =	sst s2  }
0x8f: {  	_ = 	snop  }
0x90: {  	s2 =	sld [smem:$0x3FC8];
	(tm) =	ssettm $0x1  }
0x91: {  	s18 =	sld [smem:$0x3FFB];
	_ =	sdelay $0x3  }
0x92: {  	_ =	strace s18  }
0x93: {  	s3 =	sld [smem:$0x3FFC];
	_ =	sdelay $0x3  }
0x94: {  	_ =	strace s3  }
0x95: {  	s3 =	sld [smem:$0x3FFD];
	_ =	sdelay $0x3  }
0x96: {  	_ =	strace s3  }
0x97: {  	_ =	strace $0x8FFFFFFF  }
0x98: {  	s19 =	sld [smem:$0x3FDB];
	_ =	sdelay $0x1  }
0x99: {  	s4 =	simm.s32 $_scs_section_size  }
0x9a: {  	s5 =	simm.s32 $_size__tile_overlayer_lowered;
	s6 =	simm.s32 $_tile_overlayer_lowered  }
0x9b: {  	s22 =	simm.s32 $0x1BFF;
	s21 =	sshll.u32 s6, $0x1;
	s3 =	sadd.s32 s4, s19  }
0x9c: {  	s7 =	simm.s32 $0x0;
	s20 =	sshll.u32 s5, $0x1;
	s5 =	sadd.s32 s21, s3  }
0x9d: {  	[timem:s7], [sflag:s22] =	dma.local [hbm:s5], s20  }
0x9e: {  	_ =	swait.ge [sflag:s22], s20  }
0x9f: {  	s4 =	ssub.s32 $0x0, s20;
	[sflag:s22] =	ssyncset.done $0x0  }
0xa0: {  	[sflag:s22] =	ssyncadd.s32 s4;
	_ =	sdelay $0x1  }
0xa1: {  	s23 =	simm.s32 $0x1B8B  }
0xa2: {  	_ =	swait.ge [sflag:s23], $0x1  }
0xa3: {  	[sflag:s23] =	ssyncset.done $0x0  }
0xa4: {  	s25 =	simm.s32 $0x1B8E;
	s24 =	sld [smem:$0x3FFE];
	[sflag:s23] =	ssyncadd.s32 $0xFFFFFFFF  }
0xa5: {  	s26 =	simm.s32 $execute0_lowered;
	[smem:$0x3FD2] =	sst s25  }
0xa6: {  	s5 =	sshll.u32 s26, $0x1;
	_ =	strace $0x80000046;
	[dreg:$0x1] =	wrdreg $0xFFFFFFFF  }
0xa7: {  	s28 =	simm.s32 $_size_execute0_lowered;
	s3 =	sadd.s32 s3, s5;
	[dreg:$0x0] =	wrdreg $0x0  }
0xa8: {  	s5 =	sshll.u32 s28, $0x1;
	[dreg:$0x2] =	wrdreg s3  }
0xa9: {  	[dreg:$0x3] =	wrdreg s5  }
0xaa: {  	[dreg:$0x4] =	wrdreg $0xC0  }
0xab: {  	_ =	task [dreg:s7], $0x5FFFF  }
0xac: {  	[dreg:$0x1] =	wrdreg $0xFFFFFFFF  }
0xad: {  	[dreg:$0x0] =	wrdreg $0x60  }
0xae: {  	[dreg:$0x2] =	wrdreg s2  }
0xaf: {  	[dreg:$0x3] =	wrdreg s24  }
0xb0: {  	[dreg:$0x4] =	wrdreg $0xA6000  }
0xb1: {  	[dreg:$0x5] =	wrdreg $0x9  }
0xb2: {  	_ =	task.clear_ibuf [dreg:s7], $0x6FFFF;
	_ =	strace $0x90000046  }
0xb3: {  	s29 =	simm.s32 $0x9;
	_ =	strace $0x80000048  }
0xb4: {  	_ =	swait.ge [sflag:s29], $0x1  }
0xb5: {  	[sflag:s29] =	ssyncadd.s32 $0xFFFFFFFF  }
0xb6: {  	_ =	strace $0x90000048  }
0xb7: {  	_ =	sfence  }
0xb8: {  	s30 =	sld [smem:$0x0];
	_ =	sdelay $0x2  }
0xb9: {  	s31 =	sshll.u32 s1, $0xD;
	s1 =	sshrl.u32 s1, $0x2  }
0xba: {  	s3 =	sand.u32 $0x4000, s31;
	s1 =	sadd.s32 s1, s30  }
0xbb: {  	s0 =	sor.u32 s3, s0;
	s1 =	sshll.u32 s1, $0x11  }
0xbc: {  	s0 =	sor.u32 s1, s0  }
0xbd: {  	s0 =	sadd.s32 $0x8F2B, s0  }
0xbe: {  	[sflag:s0] =	ssyncadd.remote.s32 $0x1  }
0xbf: {  	_ =	sfence.sel $0xFFFF  }
0xc0: {  	[dreg:$0x0] =	wrdreg $0xFFFFFFFF;
	(pc) =	sbr.abs _section_cstart, $3  }
0xc1: {  	[dreg:$0x1] =	wrdreg $0xFFFFFFFF  }
0xc2: {  	_ =	task.clear_ibuf [dreg:s7], $0x2FFFF;
	_ =	strace $0x9FFFFFFF  }
0xc3: {  	(tm) =	ssettm $0x7FFFFFFF  }
tec
execute0_lowered:
.L_overlay_start_1:
0x0: {  	(tag) =	ssettag $0x1  }
0x1: {  	s1 =	rddreg [dreg:$0x0]  }
0x2: {  	s0 =	rddreg [dreg:$0x1]  }
0x3: {  	s2 =	rddreg [dreg:$0x2]  }
0x4: {  	s3 =	simm.s32 $0x0;
	s4 =	srdreg.scid;
	s6 =	stileid.u32  }
0x5: {  	s15 =	simm.s32 $0x2;
	s16 =	simm.s32 $0x600;
	s17 =	simm.s32 $0xE00  }
0x6: {  	s28 =	simm.s32 $0x5E00;
	s29 =	simm.s32 $0x6600;
	s30 =	simm.s32 $0x6E00  }
0x7: {  	s31 =	simm.s32 $0x7600;
	s14 =	simm.s32 $0x1;
	[smem:$0x7FF] =	sst s3  }
0x8: {  	s5 =	sadd.s32 $0x1200, s0;
	s4 =	sand.u32 $0x1, s4;
	s7 =	sadd.s32 $0x2200, s0  }
0x9: {  	s8 =	sshll.u32 s6, $0xA;
	p0 =	sne.s32 s6, $0x0;
	_ =	strace $0x80000047  }
0xa: {  	s9 =	sshll.u32 s4, $0x9;
	s10 =	sshll.u32 s4, $0x4;
	s4 =	ssub.s32 $0x2, s4  }
0xb: {  	s11 =	sor.u32 s9, s8;
	s0 =	sadd.s32 s10, s0;
	s18 =	sshrl.u32 s4, $0x1  }
0xc: {  	s9 =	sshrl.u32 s11, $0x3;
	s13 =	ssub.s32 s4, s18;
	s19 =	sshll.u32 s11, $0x5  }
0xd: {  	s0 =	sadd.s32 $0x1A00, s0;
	s21 =	sor.u32 $0x80, s11;
	s23 =	sor.u32 $0x100, s11  }
0xe: {  	s11 =	sor.u32 $0x180, s11;
	s18 =	simm.s32 $0x1600;
	s4 =	sadd.s32 s5, s9  }
0xf: {  	[dreg:$0x4] =	wrdreg s0;
	s20 =	sadd.s32 s7, s19;
	s22 =	sshrl.u32 s21, $0x3  }
0x10: {  	s0 =	sshll.u32 s21, $0x5;
	s24 =	sshrl.u32 s23, $0x3;
	s25 =	sshll.u32 s23, $0x5  }
0x11: {  	s26 =	sshrl.u32 s11, $0x3;
	s12 =	sshll.u32 s11, $0x5;
	s13 =	smax.u32 s13, $0x1  }
0x12: {  	s19 =	simm.s32 $0x1E00;
	s21 =	simm.s32 $0x2E00;
	s23 =	simm.s32 $0x3E00  }
0x13: {  	[dreg:$0x5] =	wrdreg s20;
	s8 =	sadd.s32 s5, s22;
	s0 =	sadd.s32 s7, s0  }
0x14: {  	s11 =	sadd.s32 s5, s26;
	s12 =	sadd.s32 s7, s12;
	s20 =	simm.s32 $0x2600  }
0x15: {  	s22 =	simm.s32 $0x3600;
	s26 =	simm.s32 $0x5600;
	[dreg:$0x6] =	wrdreg s8  }
0x16: {  	v0 =	vimm.f32 $0.0e+00;
	v4 =	vlaneseq.u32;
	[dreg:$0x7] =	wrdreg s0;
	s0 =	sadd.s32 s5, s24;
	s24 =	simm.s32 $0x4600  }
0x17: {  	v1 =	vimm.f32 $1.000000000e+00;
	vm0 =	vmmov $0xffff;
	v3 =	vshrl.u32 v4, $0x3;
	s5 =	simm.s32 $0x0;
	[dreg:$0x8] =	wrdreg s0;
	s0 =	sadd.s32 s7, s25  }
0x18: {  	v2 =	vand.u32 $0x7, v4;
	v4 =	vor.u32 $0x8, v4;
	v3 =	vmul.u32 $0x8, v3;
	s25 =	simm.s32 $0x4E00;
	[dreg:$0x9] =	wrdreg s0;
	s0 =	simm.s32 $0x7E00  }
.LBB2_1:
0x19: {  	s6 =	simm.s32 $0x200  }
0x1a: {  	[tilespmem:s6], [sflag:$0x2] =	stream.linear.gather [hbm4b:s4+s3], $0x200, $0x38;
	[tilespmem:$0xA800] =	vst v63  }
0x1b: {  	_ =	swait.ge [sflag:s15], $0x200  }
0x1c: {  	[sflag:s15] =	ssyncset.done $0x0  }
0x1d: {  	s7 =	simm.s32 $0x0;
	s6 =	simm.s32 $0x40;
	[sflag:s15] =	ssyncadd.s32 $0xFFFFFE00  }
.LBB2_2:
0x1e: {  	p1 =	sne.s32 s6, $0x7FC0;
	[tilespmem:s7+$0x8600] =	vst v0;
	s7 =	smov.u32 s6;
	s6 =	sadd.s32 $0x40, s6  }
.Ltmp0:
0x1f: {  	(pc) =	sbr.rel @p1 .LBB2_2-.Ltmp0, $2  }
0x20: {  	_ =	sdelay $0x2  }
0x21: {  	s7 =	sshra.s32 s7, $0x2  }
0x22: {  	[tilespmem:s7+$0x8600] =	vst v0  }
0x23: {  	[tilespmem:$0x400] =	vst v1  }
0x24: {  	[tilespmem:$0x410] =	vst v1  }
0x25: {  	[tilespmem:$0x420] =	vst v1  }
0x26: {  	[tilespmem:$0x430] =	vst v1  }
0x27: {  	[tilespmem:$0x440] =	vst v1  }
0x28: {  	[tilespmem:$0x450] =	vst v1  }
0x29: {  	[tilespmem:$0x460] =	vst v1  }
0x2a: {  	[tilespmem:$0x470] =	vst v1  }
0x2b: {  	[tilespmem:$0x480] =	vst v1  }
0x2c: {  	[tilespmem:$0x490] =	vst v1  }
0x2d: {  	[tilespmem:$0x4A0] =	vst v1  }
0x2e: {  	[tilespmem:$0x4B0] =	vst v1  }
0x2f: {  	[tilespmem:$0x4C0] =	vst v1  }
0x30: {  	[tilespmem:$0x4D0] =	vst v1  }
0x31: {  	[tilespmem:$0x4E0] =	vst v1  }
0x32: {  	[tilespmem:$0x4F0] =	vst v1  }
0x33: {  	[tilespmem:$0x500] =	vst v1  }
0x34: {  	[tilespmem:$0x510] =	vst v1  }
0x35: {  	[tilespmem:$0x520] =	vst v1  }
0x36: {  	[tilespmem:$0x530] =	vst v1  }
0x37: {  	[tilespmem:$0x540] =	vst v1  }
0x38: {  	[tilespmem:$0x550] =	vst v1  }
0x39: {  	[tilespmem:$0x560] =	vst v1  }
0x3a: {  	[tilespmem:$0x570] =	vst v1  }
0x3b: {  	[tilespmem:$0x580] =	vst v1  }
0x3c: {  	[tilespmem:$0x590] =	vst v1  }
0x3d: {  	[tilespmem:$0x5A0] =	vst v1  }
0x3e: {  	[tilespmem:$0x5B0] =	vst v1  }
0x3f: {  	[tilespmem:$0x5C0] =	vst v1  }
0x40: {  	[tilespmem:$0x5D0] =	vst v1  }
0x41: {  	[tilespmem:$0x5E0] =	vst v1  }
0x42: {  	[tilespmem:$0x5F0] =	vst v1  }
0x43: {  	s6 =	simm.s32 @p0 $0x200;
	s7 =	simm.s32 @p0 $0x400;
	[bflag:$0x0] =	sbarrier.arrive @p0 $0xFFFF  }
0x44: {  	[spmem:s2] =	stream.indirect.scatter.add.f32 @p0 [tilespmem:s7], [sflag:$0x2], $0x1, s6, s6, $0xb8;
	[tilespmem:$0xA800] =	vst v63  }
0x45: {  	s6 =	simm.s32 @p0 $0x2  }
0x46: {  	_ =	swait.ge @p0 [sflag:s6], $0x200  }
0x47: {  	[sflag:s6] =	ssyncset.done @p0 $0x0  }
0x48: {  	[sflag:s6] =	ssyncadd.s32 @p0 $0xFFFFFE00  }
0x49: {  	s7 =	simm.s32 @!p0 $0x2;
	s6 =	simm.s32 @!p0 $0x8600;
	[bflag:$0x0] =	sbarrier.arrive @p0 $0xFFFF  }
0x4a: {  	[spmem:s2] =	stream.linear.scatter @!p0 [tilespmem:s6], [sflag:$0x2], $0x2000, $0x38;
	[tilespmem:$0xA800] =	vst v63  }
0x4b: {  	_ =	swait.ge @!p0 [sflag:s7], $0x2000  }
0x4c: {  	[sflag:s7] =	ssyncset.done @!p0 $0x0  }
0x4d: {  	[sflag:s7] =	ssyncadd.s32 @!p0 $0xFFFFE000  }
0x4e: {  	s8 =	simm.s32 @!p0 $0x200;
	s9 =	simm.s32 @!p0 $0x400;
	[bflag:$0x0] =	sbarrier.arrive @!p0 $0xFFFF  }
0x4f: {  	[spmem:s2] =	stream.indirect.scatter.add.f32 @!p0 [tilespmem:s9], [sflag:$0x2], $0x1, s8, s8, $0xb8;
	[tilespmem:$0xA800] =	vst v63  }
0x50: {  	_ =	swait.ge @!p0 [sflag:s7], $0x200  }
0x51: {  	[sflag:s7] =	ssyncset.done @!p0 $0x0  }
0x52: {  	[sflag:s7] =	ssyncadd.s32 @!p0 $0xFFFFFE00  }
0x53: {  	[bflag:$0x0] =	sbarrier.arrive @!p0 $0xFFFF  }
0x54: {  	[tilespmem:s6], [sflag:$0x2] =	stream.linear.gather @!p0 [spmem:s2], $0x2000, $0x38;
	[tilespmem:$0xA800] =	vst v63  }
0x55: {  	_ =	swait.ge @!p0 [sflag:s7], $0x2000  }
0x56: {  	s8 =	simm.s32 @!p0 $0x80;
	[sflag:s7] =	ssyncset.done @!p0 $0x0  }
0x57: {  	s9 =	simm.s32 @!p0 $0x100;
	s10 =	rddreg [dreg:$0x4];
	[sflag:s7] =	ssyncadd.s32 @!p0 $0xFFFFE000  }
0x58: {  	[hbm4b:s10+s8] =	stream.strided.scatter @!p0 [tilespmem:s6], [sflag:$0x2], $0x2000, s9, s8, $0x38;
	[tilespmem:$0xA800] =	vst v63  }
0x59: {  	_ =	swait.ge @!p0 [sflag:s7], $0x2000  }
0x5a: {  	[sflag:s7] =	ssyncset.done @!p0 $0x0  }
0x5b: {  	[sflag:s7] =	ssyncadd.s32 @!p0 $0xFFFFE000  }
0x5c: {  	[tilespmem:s3], [sflag:$0x2] =	stream.linear.gather [hbm4b:s4+s3], $0x80, $0x38;
	[tilespmem:$0xA800] =	vst v63  }
0x5d: {  	_ =	swait.ge [sflag:s15], $0x80  }
0x5e: {  	[sflag:s15] =	ssyncset.done $0x0  }
0x5f: {  	[sflag:s15] =	ssyncadd.s32 $0xFFFFFF80  }
0x60: {  	v5 =	vld [tilespmem:$0x0];
	_ =	sdelay $0x4  }
0x61: {  	v6 =	vshll.u32 v5, $0x1  }
0x62: {  	v5 =	vand.u32 $0x7, v5;
	v6 =	vand.u32 $0xFFFFFFF0, v6  }
0x63: {  	v5 =	vor.u32 v5, v6  }
0x64: {  	v6 =	vperm.xlane v5, v2;
	_ =	sdelay $0x1  }
0x65: {  	v5 =	vperm.xlane v5, v4;
	v6 =	vadd.s32 v3, v6;
	_ =	sdelay $0x1  }
0x66: {  	v5 =	vadd.s32 v3, v5;
	_ =	sdelay $0x2  }
0x67: {  	[tilespmem:s16], [sflag:$0x1] =	stream.indirect_vreg.gather [hbm4b:s1+s3], $0x80, v6, vm0, $0xb8;
	[tilespmem:$0xA800] =	vst v63  }
0x68: {  	_ = 	snop  }
0x69: {  	[tilespmem:s17], [sflag:$0x1] =	stream.indirect_vreg.gather [hbm4b:s1+s3], $0x80, v5, vm0, $0xb8;
	[tilespmem:$0xA800] =	vst v63  }
0x6a: {  	v5 =	vld [tilespmem:$0x10];
	_ =	sdelay $0x4  }
0x6b: {  	v6 =	vshll.u32 v5, $0x1  }
0x6c: {  	v5 =	vand.u32 $0x7, v5;
	v6 =	vand.u32 $0xFFFFFFF0, v6  }
0x6d: {  	v5 =	vor.u32 v5, v6  }
0x6e: {  	v6 =	vperm.xlane v5, v2;
	_ =	sdelay $0x1  }
0x6f: {  	v5 =	vperm.xlane v5, v4;
	v6 =	vadd.s32 v3, v6;
	_ =	sdelay $0x1  }
0x70: {  	v5 =	vadd.s32 v3, v5;
	_ =	sdelay $0x2  }
0x71: {  	[tilespmem:s18], [sflag:$0x1] =	stream.indirect_vreg.gather [hbm4b:s1+s3], $0x80, v6, vm0, $0xb8;
	[tilespmem:$0xA800] =	vst v63  }
0x72: {  	_ = 	snop  }
0x73: {  	[tilespmem:s19], [sflag:$0x1] =	stream.indirect_vreg.gather [hbm4b:s1+s3], $0x80, v5, vm0, $0xb8;
	[tilespmem:$0xA800] =	vst v63  }
0x74: {  	v5 =	vld [tilespmem:$0x20];
	_ =	sdelay $0x4  }
0x75: {  	v6 =	vshll.u32 v5, $0x1  }
0x76: {  	v5 =	vand.u32 $0x7, v5;
	v6 =	vand.u32 $0xFFFFFFF0, v6  }
0x77: {  	v5 =	vor.u32 v5, v6  }
0x78: {  	v6 =	vperm.xlane v5, v2;
	_ =	sdelay $0x1  }
0x79: {  	v5 =	vperm.xlane v5, v4;
	v6 =	vadd.s32 v3, v6;
	_ =	sdelay $0x1  }
0x7a: {  	v5 =	vadd.s32 v3, v5;
	_ =	sdelay $0x2  }
0x7b: {  	[tilespmem:s20], [sflag:$0x1] =	stream.indirect_vreg.gather [hbm4b:s1+s3], $0x80, v6, vm0, $0xb8;
	[tilespmem:$0xA800] =	vst v63  }
0x7c: {  	_ = 	snop  }
0x7d: {  	[tilespmem:s21], [sflag:$0x1] =	stream.indirect_vreg.gather [hbm4b:s1+s3], $0x80, v5, vm0, $0xb8;
	[tilespmem:$0xA800] =	vst v63  }
0x7e: {  	v5 =	vld [tilespmem:$0x30];
	_ =	sdelay $0x4  }
0x7f: {  	v6 =	vshll.u32 v5, $0x1  }
0x80: {  	v5 =	vand.u32 $0x7, v5;
	v6 =	vand.u32 $0xFFFFFFF0, v6  }
0x81: {  	v5 =	vor.u32 v5, v6  }
0x82: {  	v6 =	vperm.xlane v5, v2;
	_ =	sdelay $0x1  }
0x83: {  	v5 =	vperm.xlane v5, v4;
	v6 =	vadd.s32 v3, v6;
	_ =	sdelay $0x1  }
0x84: {  	v5 =	vadd.s32 v3, v5;
	_ =	sdelay $0x2  }
0x85: {  	[tilespmem:s22], [sflag:$0x1] =	stream.indirect_vreg.gather [hbm4b:s1+s3], $0x80, v6, vm0, $0xb8;
	[tilespmem:$0xA800] =	vst v63  }
0x86: {  	_ = 	snop  }
0x87: {  	[tilespmem:s23], [sflag:$0x1] =	stream.indirect_vreg.gather [hbm4b:s1+s3], $0x80, v5, vm0, $0xb8;
	[tilespmem:$0xA800] =	vst v63  }
0x88: {  	v5 =	vld [tilespmem:$0x40];
	_ =	sdelay $0x4  }
0x89: {  	v6 =	vshll.u32 v5, $0x1  }
0x8a: {  	v5 =	vand.u32 $0x7, v5;
	v6 =	vand.u32 $0xFFFFFFF0, v6  }
0x8b: {  	v5 =	vor.u32 v5, v6  }
0x8c: {  	v6 =	vperm.xlane v5, v2;
	_ =	sdelay $0x1  }
0x8d: {  	v5 =	vperm.xlane v5, v4;
	v6 =	vadd.s32 v3, v6;
	_ =	sdelay $0x1  }
0x8e: {  	v5 =	vadd.s32 v3, v5;
	_ =	sdelay $0x2  }
0x8f: {  	[tilespmem:s24], [sflag:$0x1] =	stream.indirect_vreg.gather [hbm4b:s1+s3], $0x80, v6, vm0, $0xb8;
	[tilespmem:$0xA800] =	vst v63  }
0x90: {  	_ = 	snop  }
0x91: {  	[tilespmem:s25], [sflag:$0x1] =	stream.indirect_vreg.gather [hbm4b:s1+s3], $0x80, v5, vm0, $0xb8;
	[tilespmem:$0xA800] =	vst v63  }
0x92: {  	v5 =	vld [tilespmem:$0x50];
	_ =	sdelay $0x4  }
0x93: {  	v6 =	vshll.u32 v5, $0x1  }
0x94: {  	v5 =	vand.u32 $0x7, v5;
	v6 =	vand.u32 $0xFFFFFFF0, v6  }
0x95: {  	v5 =	vor.u32 v5, v6  }
0x96: {  	v6 =	vperm.xlane v5, v2;
	_ =	sdelay $0x1  }
0x97: {  	v5 =	vperm.xlane v5, v4;
	v6 =	vadd.s32 v3, v6;
	_ =	sdelay $0x1  }
0x98: {  	v5 =	vadd.s32 v3, v5;
	_ =	sdelay $0x2  }
0x99: {  	[tilespmem:s26], [sflag:$0x1] =	stream.indirect_vreg.gather [hbm4b:s1+s3], $0x80, v6, vm0, $0xb8;
	[tilespmem:$0xA800] =	vst v63  }
0x9a: {  	_ = 	snop  }
0x9b: {  	[tilespmem:s28], [sflag:$0x1] =	stream.indirect_vreg.gather [hbm4b:s1+s3], $0x80, v5, vm0, $0xb8;
	[tilespmem:$0xA800] =	vst v63  }
0x9c: {  	v5 =	vld [tilespmem:$0x60];
	_ =	sdelay $0x4  }
0x9d: {  	v6 =	vshll.u32 v5, $0x1  }
0x9e: {  	v5 =	vand.u32 $0x7, v5;
	v6 =	vand.u32 $0xFFFFFFF0, v6  }
0x9f: {  	v5 =	vor.u32 v5, v6  }
0xa0: {  	v6 =	vperm.xlane v5, v2;
	_ =	sdelay $0x1  }
0xa1: {  	v5 =	vperm.xlane v5, v4;
	v6 =	vadd.s32 v3, v6;
	_ =	sdelay $0x1  }
0xa2: {  	v5 =	vadd.s32 v3, v5;
	_ =	sdelay $0x2  }
0xa3: {  	[tilespmem:s29], [sflag:$0x1] =	stream.indirect_vreg.gather [hbm4b:s1+s3], $0x80, v6, vm0, $0xb8;
	[tilespmem:$0xA800] =	vst v63  }
0xa4: {  	_ = 	snop  }
0xa5: {  	[tilespmem:s30], [sflag:$0x1] =	stream.indirect_vreg.gather [hbm4b:s1+s3], $0x80, v5, vm0, $0xb8;
	[tilespmem:$0xA800] =	vst v63  }
0xa6: {  	v5 =	vld [tilespmem:$0x70];
	_ =	sdelay $0x4  }
0xa7: {  	v6 =	vshll.u32 v5, $0x1  }
0xa8: {  	v5 =	vand.u32 $0x7, v5;
	v6 =	vand.u32 $0xFFFFFFF0, v6  }
0xa9: {  	v5 =	vor.u32 v5, v6  }
0xaa: {  	v6 =	vperm.xlane v5, v2;
	_ =	sdelay $0x1  }
0xab: {  	v5 =	vperm.xlane v5, v4;
	v6 =	vadd.s32 v3, v6;
	_ =	sdelay $0x1  }
0xac: {  	v5 =	vadd.s32 v3, v5;
	_ =	sdelay $0x2  }
0xad: {  	[tilespmem:s31], [sflag:$0x1] =	stream.indirect_vreg.gather [hbm4b:s1+s3], $0x80, v6, vm0, $0xb8;
	[tilespmem:$0xA800] =	vst v63  }
0xae: {  	_ = 	snop  }
0xaf: {  	[tilespmem:s0], [sflag:$0x1] =	stream.indirect_vreg.gather [hbm4b:s1+s3], $0x80, v5, vm0, $0xb8;
	[tilespmem:$0xA800] =	vst v63  }
0xb0: {  	_ =	swait.ge [sflag:s14], $0x8000  }
0xb1: {  	[sflag:s14] =	ssyncset.done $0x0  }
0xb2: {  	s7 =	rddreg [dreg:$0x5];
	[sflag:s14] =	ssyncadd.s32 $0xFFFF8000  }
0xb3: {  	[hbm4b:s7+s3] =	stream.linear.scatter [tilespmem:s16], [sflag:$0x2], $0x8000, $0x38;
	[tilespmem:$0xA800] =	vst v63  }
0xb4: {  	_ =	swait.ge [sflag:s15], $0x8000  }
0xb5: {  	[sflag:s15] =	ssyncset.done $0x0  }
0xb6: {  	s9 =	simm.s32 $0x80;
	s8 =	rddreg [dreg:$0x6];
	[sflag:s15] =	ssyncadd.s32 $0xFFFF8000  }
0xb7: {  	[tilespmem:s9], [sflag:$0x2] =	stream.linear.gather [hbm4b:s8+s3], $0x80, $0x38;
	[tilespmem:$0xA800] =	vst v63  }
0xb8: {  	_ =	swait.ge [sflag:s15], $0x80  }
0xb9: {  	[sflag:s15] =	ssyncset.done $0x0  }
0xba: {  	[sflag:s15] =	ssyncadd.s32 $0xFFFFFF80  }
0xbb: {  	v5 =	vld [tilespmem:$0x80];
	_ =	sdelay $0x4  }
0xbc: {  	v6 =	vshll.u32 v5, $0x1  }
0xbd: {  	v5 =	vand.u32 $0x7, v5;
	v6 =	vand.u32 $0xFFFFFFF0, v6  }
0xbe: {  	v5 =	vor.u32 v5, v6  }
0xbf: {  	v6 =	vperm.xlane v5, v2;
	_ =	sdelay $0x1  }
0xc0: {  	v5 =	vperm.xlane v5, v4;
	v6 =	vadd.s32 v3, v6;
	_ =	sdelay $0x1  }
0xc1: {  	v5 =	vadd.s32 v3, v5;
	_ =	sdelay $0x2  }
0xc2: {  	[tilespmem:s16], [sflag:$0x1] =	stream.indirect_vreg.gather [hbm4b:s1+s3], $0x80, v6, vm0, $0xb8;
	[tilespmem:$0xA800] =	vst v63  }
0xc3: {  	_ = 	snop  }
0xc4: {  	[tilespmem:s17], [sflag:$0x1] =	stream.indirect_vreg.gather [hbm4b:s1+s3], $0x80, v5, vm0, $0xb8;
	[tilespmem:$0xA800] =	vst v63  }
0xc5: {  	v5 =	vld [tilespmem:$0x90];
	_ =	sdelay $0x4  }
0xc6: {  	v6 =	vshll.u32 v5, $0x1  }
0xc7: {  	v5 =	vand.u32 $0x7, v5;
	v6 =	vand.u32 $0xFFFFFFF0, v6  }
0xc8: {  	v5 =	vor.u32 v5, v6  }
0xc9: {  	v6 =	vperm.xlane v5, v2;
	_ =	sdelay $0x1  }
0xca: {  	v5 =	vperm.xlane v5, v4;
	v6 =	vadd.s32 v3, v6;
	_ =	sdelay $0x1  }
0xcb: {  	v5 =	vadd.s32 v3, v5;
	_ =	sdelay $0x2  }
0xcc: {  	[tilespmem:s18], [sflag:$0x1] =	stream.indirect_vreg.gather [hbm4b:s1+s3], $0x80, v6, vm0, $0xb8;
	[tilespmem:$0xA800] =	vst v63  }
0xcd: {  	_ = 	snop  }
0xce: {  	[tilespmem:s19], [sflag:$0x1] =	stream.indirect_vreg.gather [hbm4b:s1+s3], $0x80, v5, vm0, $0xb8;
	[tilespmem:$0xA800] =	vst v63  }
0xcf: {  	v5 =	vld [tilespmem:$0xA0];
	_ =	sdelay $0x4  }
0xd0: {  	v6 =	vshll.u32 v5, $0x1  }
0xd1: {  	v5 =	vand.u32 $0x7, v5;
	v6 =	vand.u32 $0xFFFFFFF0, v6  }
0xd2: {  	v5 =	vor.u32 v5, v6  }
0xd3: {  	v6 =	vperm.xlane v5, v2;
	_ =	sdelay $0x1  }
0xd4: {  	v5 =	vperm.xlane v5, v4;
	v6 =	vadd.s32 v3, v6;
	_ =	sdelay $0x1  }
0xd5: {  	v5 =	vadd.s32 v3, v5;
	_ =	sdelay $0x2  }
0xd6: {  	[tilespmem:s20], [sflag:$0x1] =	stream.indirect_vreg.gather [hbm4b:s1+s3], $0x80, v6, vm0, $0xb8;
	[tilespmem:$0xA800] =	vst v63  }
0xd7: {  	_ = 	snop  }
0xd8: {  	[tilespmem:s21], [sflag:$0x1] =	stream.indirect_vreg.gather [hbm4b:s1+s3], $0x80, v5, vm0, $0xb8;
	[tilespmem:$0xA800] =	vst v63  }
0xd9: {  	v5 =	vld [tilespmem:$0xB0];
	_ =	sdelay $0x4  }
0xda: {  	v6 =	vshll.u32 v5, $0x1  }
0xdb: {  	v5 =	vand.u32 $0x7, v5;
	v6 =	vand.u32 $0xFFFFFFF0, v6  }
0xdc: {  	v5 =	vor.u32 v5, v6  }
0xdd: {  	v6 =	vperm.xlane v5, v2;
	_ =	sdelay $0x1  }
0xde: {  	v5 =	vperm.xlane v5, v4;
	v6 =	vadd.s32 v3, v6;
	_ =	sdelay $0x1  }
0xdf: {  	v5 =	vadd.s32 v3, v5;
	_ =	sdelay $0x2  }
0xe0: {  	[tilespmem:s22], [sflag:$0x1] =	stream.indirect_vreg.gather [hbm4b:s1+s3], $0x80, v6, vm0, $0xb8;
	[tilespmem:$0xA800] =	vst v63  }
0xe1: {  	_ = 	snop  }
0xe2: {  	[tilespmem:s23], [sflag:$0x1] =	stream.indirect_vreg.gather [hbm4b:s1+s3], $0x80, v5, vm0, $0xb8;
	[tilespmem:$0xA800] =	vst v63  }
0xe3: {  	v5 =	vld [tilespmem:$0xC0];
	_ =	sdelay $0x4  }
0xe4: {  	v6 =	vshll.u32 v5, $0x1  }
0xe5: {  	v5 =	vand.u32 $0x7, v5;
	v6 =	vand.u32 $0xFFFFFFF0, v6  }
0xe6: {  	v5 =	vor.u32 v5, v6  }
0xe7: {  	v6 =	vperm.xlane v5, v2;
	_ =	sdelay $0x1  }
0xe8: {  	v5 =	vperm.xlane v5, v4;
	v6 =	vadd.s32 v3, v6;
	_ =	sdelay $0x1  }
0xe9: {  	v5 =	vadd.s32 v3, v5;
	_ =	sdelay $0x2  }
0xea: {  	[tilespmem:s24], [sflag:$0x1] =	stream.indirect_vreg.gather [hbm4b:s1+s3], $0x80, v6, vm0, $0xb8;
	[tilespmem:$0xA800] =	vst v63  }
0xeb: {  	_ = 	snop  }
0xec: {  	[tilespmem:s25], [sflag:$0x1] =	stream.indirect_vreg.gather [hbm4b:s1+s3], $0x80, v5, vm0, $0xb8;
	[tilespmem:$0xA800] =	vst v63  }
0xed: {  	v5 =	vld [tilespmem:$0xD0];
	_ =	sdelay $0x4  }
0xee: {  	v6 =	vshll.u32 v5, $0x1  }
0xef: {  	v5 =	vand.u32 $0x7, v5;
	v6 =	vand.u32 $0xFFFFFFF0, v6  }
0xf0: {  	v5 =	vor.u32 v5, v6  }
0xf1: {  	v6 =	vperm.xlane v5, v2;
	_ =	sdelay $0x1  }
0xf2: {  	v5 =	vperm.xlane v5, v4;
	v6 =	vadd.s32 v3, v6;
	_ =	sdelay $0x1  }
0xf3: {  	v5 =	vadd.s32 v3, v5;
	_ =	sdelay $0x2  }
0xf4: {  	[tilespmem:s26], [sflag:$0x1] =	stream.indirect_vreg.gather [hbm4b:s1+s3], $0x80, v6, vm0, $0xb8;
	[tilespmem:$0xA800] =	vst v63  }
0xf5: {  	_ = 	snop  }
0xf6: {  	[tilespmem:s28], [sflag:$0x1] =	stream.indirect_vreg.gather [hbm4b:s1+s3], $0x80, v5, vm0, $0xb8;
	[tilespmem:$0xA800] =	vst v63  }
0xf7: {  	v5 =	vld [tilespmem:$0xE0];
	_ =	sdelay $0x4  }
0xf8: {  	v6 =	vshll.u32 v5, $0x1  }
0xf9: {  	v5 =	vand.u32 $0x7, v5;
	v6 =	vand.u32 $0xFFFFFFF0, v6  }
0xfa: {  	v5 =	vor.u32 v5, v6  }
0xfb: {  	v6 =	vperm.xlane v5, v2;
	_ =	sdelay $0x1  }
0xfc: {  	v5 =	vperm.xlane v5, v4;
	v6 =	vadd.s32 v3, v6;
	_ =	sdelay $0x1  }
0xfd: {  	v5 =	vadd.s32 v3, v5;
	_ =	sdelay $0x2  }
0xfe: {  	[tilespmem:s29], [sflag:$0x1] =	stream.indirect_vreg.gather [hbm4b:s1+s3], $0x80, v6, vm0, $0xb8;
	[tilespmem:$0xA800] =	vst v63  }
0xff: {  	_ = 	snop  }
0x100: {  	[tilespmem:s30], [sflag:$0x1] =	stream.indirect_vreg.gather [hbm4b:s1+s3], $0x80, v5, vm0, $0xb8;
	[tilespmem:$0xA800] =	vst v63  }
0x101: {  	v5 =	vld [tilespmem:$0xF0];
	_ =	sdelay $0x4  }
0x102: {  	v6 =	vshll.u32 v5, $0x1  }
0x103: {  	v5 =	vand.u32 $0x7, v5;
	v6 =	vand.u32 $0xFFFFFFF0, v6  }
0x104: {  	v5 =	vor.u32 v5, v6  }
0x105: {  	v6 =	vperm.xlane v5, v2;
	_ =	sdelay $0x1  }
0x106: {  	v5 =	vperm.xlane v5, v4;
	v6 =	vadd.s32 v3, v6;
	_ =	sdelay $0x1  }
0x107: {  	v5 =	vadd.s32 v3, v5;
	_ =	sdelay $0x2  }
0x108: {  	[tilespmem:s31], [sflag:$0x1] =	stream.indirect_vreg.gather [hbm4b:s1+s3], $0x80, v6, vm0, $0xb8;
	[tilespmem:$0xA800] =	vst v63  }
0x109: {  	_ = 	snop  }
0x10a: {  	[tilespmem:s0], [sflag:$0x1] =	stream.indirect_vreg.gather [hbm4b:s1+s3], $0x80, v5, vm0, $0xb8;
	[tilespmem:$0xA800] =	vst v63  }
0x10b: {  	_ =	swait.ge [sflag:s14], $0x8000  }
0x10c: {  	[sflag:s14] =	ssyncset.done $0x0  }
0x10d: {  	s10 =	rddreg [dreg:$0x7];
	[sflag:s14] =	ssyncadd.s32 $0xFFFF8000  }
0x10e: {  	[hbm4b:s10+s3] =	stream.linear.scatter [tilespmem:s16], [sflag:$0x2], $0x8000, $0x38;
	[tilespmem:$0xA800] =	vst v63  }
0x10f: {  	_ =	swait.ge [sflag:s15], $0x8000  }
0x110: {  	[sflag:s15] =	ssyncset.done $0x0  }
0x111: {  	s8 =	simm.s32 $0x100;
	s7 =	rddreg [dreg:$0x8];
	[sflag:s15] =	ssyncadd.s32 $0xFFFF8000  }
0x112: {  	[tilespmem:s8], [sflag:$0x2] =	stream.linear.gather [hbm4b:s7+s3], $0x80, $0x38;
	[tilespmem:$0xA800] =	vst v63  }
0x113: {  	_ =	swait.ge [sflag:s15], $0x80  }
0x114: {  	[sflag:s15] =	ssyncset.done $0x0  }
0x115: {  	[sflag:s15] =	ssyncadd.s32 $0xFFFFFF80  }
0x116: {  	v5 =	vld [tilespmem:$0x100];
	_ =	sdelay $0x4  }
0x117: {  	v6 =	vshll.u32 v5, $0x1  }
0x118: {  	v5 =	vand.u32 $0x7, v5;
	v6 =	vand.u32 $0xFFFFFFF0, v6  }
0x119: {  	v5 =	vor.u32 v5, v6  }
0x11a: {  	v6 =	vperm.xlane v5, v2;
	_ =	sdelay $0x1  }
0x11b: {  	v5 =	vperm.xlane v5, v4;
	v6 =	vadd.s32 v3, v6;
	_ =	sdelay $0x1  }
0x11c: {  	v5 =	vadd.s32 v3, v5;
	_ =	sdelay $0x2  }
0x11d: {  	[tilespmem:s16], [sflag:$0x1] =	stream.indirect_vreg.gather [hbm4b:s1+s3], $0x80, v6, vm0, $0xb8;
	[tilespmem:$0xA800] =	vst v63  }
0x11e: {  	_ = 	snop  }
0x11f: {  	[tilespmem:s17], [sflag:$0x1] =	stream.indirect_vreg.gather [hbm4b:s1+s3], $0x80, v5, vm0, $0xb8;
	[tilespmem:$0xA800] =	vst v63  }
0x120: {  	v5 =	vld [tilespmem:$0x110];
	_ =	sdelay $0x4  }
0x121: {  	v6 =	vshll.u32 v5, $0x1  }
0x122: {  	v5 =	vand.u32 $0x7, v5;
	v6 =	vand.u32 $0xFFFFFFF0, v6  }
0x123: {  	v5 =	vor.u32 v5, v6  }
0x124: {  	v6 =	vperm.xlane v5, v2;
	_ =	sdelay $0x1  }
0x125: {  	v5 =	vperm.xlane v5, v4;
	v6 =	vadd.s32 v3, v6;
	_ =	sdelay $0x1  }
0x126: {  	v5 =	vadd.s32 v3, v5;
	_ =	sdelay $0x2  }
0x127: {  	[tilespmem:s18], [sflag:$0x1] =	stream.indirect_vreg.gather [hbm4b:s1+s3], $0x80, v6, vm0, $0xb8;
	[tilespmem:$0xA800] =	vst v63  }
0x128: {  	_ = 	snop  }
0x129: {  	[tilespmem:s19], [sflag:$0x1] =	stream.indirect_vreg.gather [hbm4b:s1+s3], $0x80, v5, vm0, $0xb8;
	[tilespmem:$0xA800] =	vst v63  }
0x12a: {  	v5 =	vld [tilespmem:$0x120];
	_ =	sdelay $0x4  }
0x12b: {  	v6 =	vshll.u32 v5, $0x1  }
0x12c: {  	v5 =	vand.u32 $0x7, v5;
	v6 =	vand.u32 $0xFFFFFFF0, v6  }
0x12d: {  	v5 =	vor.u32 v5, v6  }
0x12e: {  	v6 =	vperm.xlane v5, v2;
	_ =	sdelay $0x1  }
0x12f: {  	v5 =	vperm.xlane v5, v4;
	v6 =	vadd.s32 v3, v6;
	_ =	sdelay $0x1  }
0x130: {  	v5 =	vadd.s32 v3, v5;
	_ =	sdelay $0x2  }
0x131: {  	[tilespmem:s20], [sflag:$0x1] =	stream.indirect_vreg.gather [hbm4b:s1+s3], $0x80, v6, vm0, $0xb8;
	[tilespmem:$0xA800] =	vst v63  }
0x132: {  	_ = 	snop  }
0x133: {  	[tilespmem:s21], [sflag:$0x1] =	stream.indirect_vreg.gather [hbm4b:s1+s3], $0x80, v5, vm0, $0xb8;
	[tilespmem:$0xA800] =	vst v63  }
0x134: {  	v5 =	vld [tilespmem:$0x130];
	_ =	sdelay $0x4  }
0x135: {  	v6 =	vshll.u32 v5, $0x1  }
0x136: {  	v5 =	vand.u32 $0x7, v5;
	v6 =	vand.u32 $0xFFFFFFF0, v6  }
0x137: {  	v5 =	vor.u32 v5, v6  }
0x138: {  	v6 =	vperm.xlane v5, v2;
	_ =	sdelay $0x1  }
0x139: {  	v5 =	vperm.xlane v5, v4;
	v6 =	vadd.s32 v3, v6;
	_ =	sdelay $0x1  }
0x13a: {  	v5 =	vadd.s32 v3, v5;
	_ =	sdelay $0x2  }
0x13b: {  	[tilespmem:s22], [sflag:$0x1] =	stream.indirect_vreg.gather [hbm4b:s1+s3], $0x80, v6, vm0, $0xb8;
	[tilespmem:$0xA800] =	vst v63  }
0x13c: {  	_ = 	snop  }
0x13d: {  	[tilespmem:s23], [sflag:$0x1] =	stream.indirect_vreg.gather [hbm4b:s1+s3], $0x80, v5, vm0, $0xb8;
	[tilespmem:$0xA800] =	vst v63  }
0x13e: {  	v5 =	vld [tilespmem:$0x140];
	_ =	sdelay $0x4  }
0x13f: {  	v6 =	vshll.u32 v5, $0x1  }
0x140: {  	v5 =	vand.u32 $0x7, v5;
	v6 =	vand.u32 $0xFFFFFFF0, v6  }
0x141: {  	v5 =	vor.u32 v5, v6  }
0x142: {  	v6 =	vperm.xlane v5, v2;
	_ =	sdelay $0x1  }
0x143: {  	v5 =	vperm.xlane v5, v4;
	v6 =	vadd.s32 v3, v6;
	_ =	sdelay $0x1  }
0x144: {  	v5 =	vadd.s32 v3, v5;
	_ =	sdelay $0x2  }
0x145: {  	[tilespmem:s24], [sflag:$0x1] =	stream.indirect_vreg.gather [hbm4b:s1+s3], $0x80, v6, vm0, $0xb8;
	[tilespmem:$0xA800] =	vst v63  }
0x146: {  	_ = 	snop  }
0x147: {  	[tilespmem:s25], [sflag:$0x1] =	stream.indirect_vreg.gather [hbm4b:s1+s3], $0x80, v5, vm0, $0xb8;
	[tilespmem:$0xA800] =	vst v63  }
0x148: {  	v5 =	vld [tilespmem:$0x150];
	_ =	sdelay $0x4  }
0x149: {  	v6 =	vshll.u32 v5, $0x1  }
0x14a: {  	v5 =	vand.u32 $0x7, v5;
	v6 =	vand.u32 $0xFFFFFFF0, v6  }
0x14b: {  	v5 =	vor.u32 v5, v6  }
0x14c: {  	v6 =	vperm.xlane v5, v2;
	_ =	sdelay $0x1  }
0x14d: {  	v5 =	vperm.xlane v5, v4;
	v6 =	vadd.s32 v3, v6;
	_ =	sdelay $0x1  }
0x14e: {  	v5 =	vadd.s32 v3, v5;
	_ =	sdelay $0x2  }
0x14f: {  	[tilespmem:s26], [sflag:$0x1] =	stream.indirect_vreg.gather [hbm4b:s1+s3], $0x80, v6, vm0, $0xb8;
	[tilespmem:$0xA800] =	vst v63  }
0x150: {  	_ = 	snop  }
0x151: {  	[tilespmem:s28], [sflag:$0x1] =	stream.indirect_vreg.gather [hbm4b:s1+s3], $0x80, v5, vm0, $0xb8;
	[tilespmem:$0xA800] =	vst v63  }
0x152: {  	v5 =	vld [tilespmem:$0x160];
	_ =	sdelay $0x4  }
0x153: {  	v6 =	vshll.u32 v5, $0x1  }
0x154: {  	v5 =	vand.u32 $0x7, v5;
	v6 =	vand.u32 $0xFFFFFFF0, v6  }
0x155: {  	v5 =	vor.u32 v5, v6  }
0x156: {  	v6 =	vperm.xlane v5, v2;
	_ =	sdelay $0x1  }
0x157: {  	v5 =	vperm.xlane v5, v4;
	v6 =	vadd.s32 v3, v6;
	_ =	sdelay $0x1  }
0x158: {  	v5 =	vadd.s32 v3, v5;
	_ =	sdelay $0x2  }
0x159: {  	[tilespmem:s29], [sflag:$0x1] =	stream.indirect_vreg.gather [hbm4b:s1+s3], $0x80, v6, vm0, $0xb8;
	[tilespmem:$0xA800] =	vst v63  }
0x15a: {  	_ = 	snop  }
0x15b: {  	[tilespmem:s30], [sflag:$0x1] =	stream.indirect_vreg.gather [hbm4b:s1+s3], $0x80, v5, vm0, $0xb8;
	[tilespmem:$0xA800] =	vst v63  }
0x15c: {  	v5 =	vld [tilespmem:$0x170];
	_ =	sdelay $0x4  }
0x15d: {  	v6 =	vshll.u32 v5, $0x1  }
0x15e: {  	v5 =	vand.u32 $0x7, v5;
	v6 =	vand.u32 $0xFFFFFFF0, v6  }
0x15f: {  	v5 =	vor.u32 v5, v6  }
0x160: {  	v6 =	vperm.xlane v5, v2;
	_ =	sdelay $0x1  }
0x161: {  	v5 =	vperm.xlane v5, v4;
	v6 =	vadd.s32 v3, v6;
	_ =	sdelay $0x1  }
0x162: {  	v5 =	vadd.s32 v3, v5;
	_ =	sdelay $0x2  }
0x163: {  	[tilespmem:s31], [sflag:$0x1] =	stream.indirect_vreg.gather [hbm4b:s1+s3], $0x80, v6, vm0, $0xb8;
	[tilespmem:$0xA800] =	vst v63  }
0x164: {  	_ = 	snop  }
0x165: {  	[tilespmem:s0], [sflag:$0x1] =	stream.indirect_vreg.gather [hbm4b:s1+s3], $0x80, v5, vm0, $0xb8;
	[tilespmem:$0xA800] =	vst v63  }
0x166: {  	_ =	swait.ge [sflag:s14], $0x8000  }
0x167: {  	[sflag:s14] =	ssyncset.done $0x0  }
0x168: {  	s9 =	rddreg [dreg:$0x9];
	[sflag:s14] =	ssyncadd.s32 $0xFFFF8000  }
0x169: {  	[hbm4b:s9+s3] =	stream.linear.scatter [tilespmem:s16], [sflag:$0x2], $0x8000, $0x38;
	[tilespmem:$0xA800] =	vst v63  }
0x16a: {  	_ =	swait.ge [sflag:s15], $0x8000  }
0x16b: {  	[sflag:s15] =	ssyncset.done $0x0  }
0x16c: {  	s10 =	simm.s32 $0x180;
	[sflag:s15] =	ssyncadd.s32 $0xFFFF8000  }
0x16d: {  	[tilespmem:s10], [sflag:$0x2] =	stream.linear.gather [hbm4b:s11+s3], $0x80, $0x38;
	[tilespmem:$0xA800] =	vst v63  }
0x16e: {  	_ =	swait.ge [sflag:s15], $0x80  }
0x16f: {  	[sflag:s15] =	ssyncset.done $0x0  }
0x170: {  	[sflag:s15] =	ssyncadd.s32 $0xFFFFFF80  }
0x171: {  	v5 =	vld [tilespmem:$0x180];
	_ =	sdelay $0x4  }
0x172: {  	v6 =	vshll.u32 v5, $0x1  }
0x173: {  	v5 =	vand.u32 $0x7, v5;
	v6 =	vand.u32 $0xFFFFFFF0, v6  }
0x174: {  	v5 =	vor.u32 v5, v6  }
0x175: {  	v6 =	vperm.xlane v5, v2;
	_ =	sdelay $0x1  }
0x176: {  	v5 =	vperm.xlane v5, v4;
	v6 =	vadd.s32 v3, v6;
	_ =	sdelay $0x1  }
0x177: {  	v5 =	vadd.s32 v3, v5;
	_ =	sdelay $0x2  }
0x178: {  	[tilespmem:s16], [sflag:$0x1] =	stream.indirect_vreg.gather [hbm4b:s1+s3], $0x80, v6, vm0, $0xb8;
	[tilespmem:$0xA800] =	vst v63  }
0x179: {  	_ = 	snop  }
0x17a: {  	[tilespmem:s17], [sflag:$0x1] =	stream.indirect_vreg.gather [hbm4b:s1+s3], $0x80, v5, vm0, $0xb8;
	[tilespmem:$0xA800] =	vst v63  }
0x17b: {  	v5 =	vld [tilespmem:$0x190];
	_ =	sdelay $0x4  }
0x17c: {  	v6 =	vshll.u32 v5, $0x1  }
0x17d: {  	v5 =	vand.u32 $0x7, v5;
	v6 =	vand.u32 $0xFFFFFFF0, v6  }
0x17e: {  	v5 =	vor.u32 v5, v6  }
0x17f: {  	v6 =	vperm.xlane v5, v2;
	_ =	sdelay $0x1  }
0x180: {  	v5 =	vperm.xlane v5, v4;
	v6 =	vadd.s32 v3, v6;
	_ =	sdelay $0x1  }
0x181: {  	v5 =	vadd.s32 v3, v5;
	_ =	sdelay $0x2  }
0x182: {  	[tilespmem:s18], [sflag:$0x1] =	stream.indirect_vreg.gather [hbm4b:s1+s3], $0x80, v6, vm0, $0xb8;
	[tilespmem:$0xA800] =	vst v63  }
0x183: {  	_ = 	snop  }
0x184: {  	[tilespmem:s19], [sflag:$0x1] =	stream.indirect_vreg.gather [hbm4b:s1+s3], $0x80, v5, vm0, $0xb8;
	[tilespmem:$0xA800] =	vst v63  }
0x185: {  	v5 =	vld [tilespmem:$0x1A0];
	_ =	sdelay $0x4  }
0x186: {  	v6 =	vshll.u32 v5, $0x1  }
0x187: {  	v5 =	vand.u32 $0x7, v5;
	v6 =	vand.u32 $0xFFFFFFF0, v6  }
0x188: {  	v5 =	vor.u32 v5, v6  }
0x189: {  	v6 =	vperm.xlane v5, v2;
	_ =	sdelay $0x1  }
0x18a: {  	v5 =	vperm.xlane v5, v4;
	v6 =	vadd.s32 v3, v6;
	_ =	sdelay $0x1  }
0x18b: {  	v5 =	vadd.s32 v3, v5;
	_ =	sdelay $0x2  }
0x18c: {  	[tilespmem:s20], [sflag:$0x1] =	stream.indirect_vreg.gather [hbm4b:s1+s3], $0x80, v6, vm0, $0xb8;
	[tilespmem:$0xA800] =	vst v63  }
0x18d: {  	_ = 	snop  }
0x18e: {  	[tilespmem:s21], [sflag:$0x1] =	stream.indirect_vreg.gather [hbm4b:s1+s3], $0x80, v5, vm0, $0xb8;
	[tilespmem:$0xA800] =	vst v63  }
0x18f: {  	v5 =	vld [tilespmem:$0x1B0];
	_ =	sdelay $0x4  }
0x190: {  	v6 =	vshll.u32 v5, $0x1  }
0x191: {  	v5 =	vand.u32 $0x7, v5;
	v6 =	vand.u32 $0xFFFFFFF0, v6  }
0x192: {  	v5 =	vor.u32 v5, v6  }
0x193: {  	v6 =	vperm.xlane v5, v2;
	_ =	sdelay $0x1  }
0x194: {  	v5 =	vperm.xlane v5, v4;
	v6 =	vadd.s32 v3, v6;
	_ =	sdelay $0x1  }
0x195: {  	v5 =	vadd.s32 v3, v5;
	_ =	sdelay $0x2  }
0x196: {  	[tilespmem:s22], [sflag:$0x1] =	stream.indirect_vreg.gather [hbm4b:s1+s3], $0x80, v6, vm0, $0xb8;
	[tilespmem:$0xA800] =	vst v63  }
0x197: {  	_ = 	snop  }
0x198: {  	[tilespmem:s23], [sflag:$0x1] =	stream.indirect_vreg.gather [hbm4b:s1+s3], $0x80, v5, vm0, $0xb8;
	[tilespmem:$0xA800] =	vst v63  }
0x199: {  	v5 =	vld [tilespmem:$0x1C0];
	_ =	sdelay $0x4  }
0x19a: {  	v6 =	vshll.u32 v5, $0x1  }
0x19b: {  	v5 =	vand.u32 $0x7, v5;
	v6 =	vand.u32 $0xFFFFFFF0, v6  }
0x19c: {  	v5 =	vor.u32 v5, v6  }
0x19d: {  	v6 =	vperm.xlane v5, v2;
	_ =	sdelay $0x1  }
0x19e: {  	v5 =	vperm.xlane v5, v4;
	v6 =	vadd.s32 v3, v6;
	_ =	sdelay $0x1  }
0x19f: {  	v5 =	vadd.s32 v3, v5;
	_ =	sdelay $0x2  }
0x1a0: {  	[tilespmem:s24], [sflag:$0x1] =	stream.indirect_vreg.gather [hbm4b:s1+s3], $0x80, v6, vm0, $0xb8;
	[tilespmem:$0xA800] =	vst v63  }
0x1a1: {  	_ = 	snop  }
0x1a2: {  	[tilespmem:s25], [sflag:$0x1] =	stream.indirect_vreg.gather [hbm4b:s1+s3], $0x80, v5, vm0, $0xb8;
	[tilespmem:$0xA800] =	vst v63  }
0x1a3: {  	v5 =	vld [tilespmem:$0x1D0];
	_ =	sdelay $0x4  }
0x1a4: {  	v6 =	vshll.u32 v5, $0x1  }
0x1a5: {  	v5 =	vand.u32 $0x7, v5;
	v6 =	vand.u32 $0xFFFFFFF0, v6  }
0x1a6: {  	v5 =	vor.u32 v5, v6  }
0x1a7: {  	v6 =	vperm.xlane v5, v2;
	_ =	sdelay $0x1  }
0x1a8: {  	v5 =	vperm.xlane v5, v4;
	v6 =	vadd.s32 v3, v6;
	_ =	sdelay $0x1  }
0x1a9: {  	v5 =	vadd.s32 v3, v5;
	_ =	sdelay $0x2  }
0x1aa: {  	[tilespmem:s26], [sflag:$0x1] =	stream.indirect_vreg.gather [hbm4b:s1+s3], $0x80, v6, vm0, $0xb8;
	[tilespmem:$0xA800] =	vst v63  }
0x1ab: {  	_ = 	snop  }
0x1ac: {  	[tilespmem:s28], [sflag:$0x1] =	stream.indirect_vreg.gather [hbm4b:s1+s3], $0x80, v5, vm0, $0xb8;
	[tilespmem:$0xA800] =	vst v63  }
0x1ad: {  	v5 =	vld [tilespmem:$0x1E0];
	_ =	sdelay $0x4  }
0x1ae: {  	v6 =	vshll.u32 v5, $0x1  }
0x1af: {  	v5 =	vand.u32 $0x7, v5;
	v6 =	vand.u32 $0xFFFFFFF0, v6  }
0x1b0: {  	v5 =	vor.u32 v5, v6  }
0x1b1: {  	v6 =	vperm.xlane v5, v2;
	_ =	sdelay $0x1  }
0x1b2: {  	v5 =	vperm.xlane v5, v4;
	v6 =	vadd.s32 v3, v6;
	_ =	sdelay $0x1  }
0x1b3: {  	v5 =	vadd.s32 v3, v5;
	_ =	sdelay $0x2  }
0x1b4: {  	[tilespmem:s29], [sflag:$0x1] =	stream.indirect_vreg.gather [hbm4b:s1+s3], $0x80, v6, vm0, $0xb8;
	[tilespmem:$0xA800] =	vst v63  }
0x1b5: {  	_ = 	snop  }
0x1b6: {  	[tilespmem:s30], [sflag:$0x1] =	stream.indirect_vreg.gather [hbm4b:s1+s3], $0x80, v5, vm0, $0xb8;
	[tilespmem:$0xA800] =	vst v63  }
0x1b7: {  	v5 =	vld [tilespmem:$0x1F0];
	_ =	sdelay $0x4  }
0x1b8: {  	v6 =	vshll.u32 v5, $0x1  }
0x1b9: {  	v5 =	vand.u32 $0x7, v5;
	v6 =	vand.u32 $0xFFFFFFF0, v6  }
0x1ba: {  	v5 =	vor.u32 v5, v6  }
0x1bb: {  	v6 =	vperm.xlane v5, v2;
	_ =	sdelay $0x1  }
0x1bc: {  	v5 =	vperm.xlane v5, v4;
	v6 =	vadd.s32 v3, v6;
	_ =	sdelay $0x1  }
0x1bd: {  	v5 =	vadd.s32 v3, v5;
	_ =	sdelay $0x2  }
0x1be: {  	[tilespmem:s31], [sflag:$0x1] =	stream.indirect_vreg.gather [hbm4b:s1+s3], $0x80, v6, vm0, $0xb8;
	[tilespmem:$0xA800] =	vst v63  }
0x1bf: {  	_ = 	snop  }
0x1c0: {  	[tilespmem:s0], [sflag:$0x1] =	stream.indirect_vreg.gather [hbm4b:s1+s3], $0x80, v5, vm0, $0xb8;
	[tilespmem:$0xA800] =	vst v63  }
0x1c1: {  	s5 =	sadd.s32 $0x1, s5;
	_ =	swait.ge [sflag:s14], $0x8000  }
0x1c2: {  	p1 =	sne.s32 s5, s13;
	[sflag:s14] =	ssyncset.done $0x0  }
.Ltmp1:
0x1c3: {  	[sflag:s14] =	ssyncadd.s32 $0xFFFF8000;
	(pc) =	sbr.rel @p1 .LBB2_1-.Ltmp1, $4  }
0x1c4: {  	[hbm4b:s12+s3] =	stream.linear.scatter [tilespmem:s16], [sflag:$0x2], $0x8000, $0x38;
	[tilespmem:$0xA800] =	vst v63  }
0x1c5: {  	_ =	swait.ge [sflag:s15], $0x8000  }
0x1c6: {  	[sflag:s15] =	ssyncset.done $0x0  }
0x1c7: {  	[sflag:s15] =	ssyncadd.s32 $0xFFFF8000  }
0x1c8: {  	_ =	sfence.sel $0x180000  }
0x1c9: {  	[bflag:$0x0] =	sbarrier.arrive $0xFFFF  }
0x1ca: {  	_ =	strace $0x90000047  }
0x1cb: {  	[bflag:$0x2] =	sbarrier.arrive $0xFFFF  }
0x1cc: {  	s0 =	rddreg [dreg:$0x3]  }
0x1cd: {  	s0 =	sadd.s32 @!p0 $0x100000, s0  }
0x1ce: {  	[sflag:s0] =	ssyncadd.tile.s32 @!p0 $0x1;
	_ =	shalt  }
.Lfunc_end2:
_tile_overlayer_lowered:
.L_overlay_start_2:
0x1cf: {  	(tag) =	ssettag $0x2  }
0x1d0: {  	s0 =	rddreg [dreg:$0x0];
	s2 =	stileid.u32  }
0x1d1: {  	s1 =	rddreg [dreg:$0x1];
	p0 =	sne.s32 s2, $0x0  }
0x1d2: {  	s3 =	rddreg [dreg:$0x2];
	[bflag:$0x3] =	sbarrier.arrive $0xFFFF;
	s2 =	simm.s32 @!p0 $0x1C02  }
0x1d3: {  	[timem:s3], [sflag:s2] =	dma.local @!p0 [hbm:s0], s1  }
0x1d4: {  	s0 =	simm.s32 @!p0 $0x2  }
0x1d5: {  	_ =	swait.ge @!p0 [sflag:s0], s1  }
0x1d6: {  	s1 =	ssub.s32 @!p0 $0x0, s1;
	[sflag:s0] =	ssyncset.done @!p0 $0x0  }
0x1d7: {  	[sflag:s0] =	ssyncadd.s32 @!p0 s1  }
0x1d8: {  	[bflag:$0x3] =	sbarrier.arrive $0xFFFF  }
0x1d9: {  	_ =	shalt  }

</sc_bundles>
